<compile_context>
chip_gen: v7x
topology: tpu7x:2x2x1
jax: 0.10.2.dev20260603
libtpu: 0.0.44.dev20260713+nightly
codegen_flags: <defaults>
</compile_context>

<pallas_src>
import functools

import jax
import jax.numpy as jnp
from jax import lax
from jax.experimental import pallas as pl
from jax.experimental.pallas import tpu as pltpu
from jax.experimental.pallas import tpu_sc as plsc

K_EMB = 8192
D_EMB = 256
N_TOK = 8192
DECAY = 0.99
EPSILON = 1e-05
COMMITMENT_COST = 0.25


TM = 2048
TK = 2048
NT = N_TOK // TM
NK = K_EMB // TK


def _argmin_body(fsq_ref, wsq_ref, flat_ref, w_ref, idx_out, bestv, besti):
    kblk = pl.program_id(1)

    @pl.when(kblk == 0)
    def _():
        bestv[...] = jnp.full((TM, 1), jnp.inf, jnp.float32)
        besti[...] = jnp.zeros((TM, 1), jnp.int32)

    m = lax.dot_general(flat_ref[...], w_ref[...], (((1,), (1,)), ((), ())),
                        preferred_element_type=jnp.float32)
    d = (fsq_ref[...] + wsq_ref[...]) - 2.0 * m
    rowmin = jnp.min(d, axis=1, keepdims=True)
    cols = lax.broadcasted_iota(jnp.int32, (TM, TK), 1)
    rowarg = jnp.min(jnp.where(d == rowmin, cols, TK), axis=1, keepdims=True)
    rowarg = rowarg + kblk * TK
    better = rowmin < bestv[...]
    besti[...] = jnp.where(better, rowarg, besti[...])
    bestv[...] = jnp.where(better, rowmin, bestv[...])

    @pl.when(kblk == NK - 1)
    def _():
        idx_out[...] = besti[...]


def _stage_a(fsq, wsq2d, flat, W):
    return pl.pallas_call(
        _argmin_body,
        grid=(NT, NK),
        in_specs=[
            pl.BlockSpec((TM, 1), lambda i, k: (i, 0)),
            pl.BlockSpec((1, TK), lambda i, k: (0, k)),
            pl.BlockSpec((TM, D_EMB), lambda i, k: (i, 0)),
            pl.BlockSpec((TK, D_EMB), lambda i, k: (k, 0)),
        ],
        out_specs=pl.BlockSpec((TM, 1), lambda i, k: (i, 0)),
        out_shape=jax.ShapeDtypeStruct((N_TOK, 1), jnp.int32),
        scratch_shapes=[pltpu.VMEM((TM, 1), jnp.float32),
                        pltpu.VMEM((TM, 1), jnp.int32)],
        compiler_params=pltpu.CompilerParams(
            dimension_semantics=("arbitrary", "arbitrary")),
    )(fsq, wsq2d, flat, W)



NC = 2
NS = 16
TPW = N_TOK // NS
CHUNK = 128
NCHUNK = TPW // CHUNK
CNT_R = K_EMB // 128


def _scatter_body(flat2_hbm, idxr_hbm, z128_hbm, iota_hbm,
                  dw_hbm, cnt_hbm, idx_v, rows_c, cnt_local, iota_v,
                  dw_sh, cnt_sh, _sem):
    c = lax.axis_index("c")
    s = lax.axis_index("s")
    base = s * TPW
    pltpu.sync_copy(z128_hbm.at[pl.ds(base, TPW)], dw_sh.at[pl.ds(base, TPW)])
    pltpu.sync_copy(z128_hbm.at[pl.ds(0, CNT_R)], cnt_local)
    pltpu.sync_copy(idxr_hbm.at[pl.ds(s * NCHUNK, NCHUNK)], idx_v)
    pltpu.sync_copy(iota_hbm, iota_v)

    @pl.when(s == 0)
    def _():
        pltpu.sync_copy(z128_hbm.at[pl.ds(0, CNT_R)], cnt_sh)

    ones16 = jnp.ones((16,), jnp.float32)
    for j in range(NCHUNK):
        for i in range(CHUNK // 16):
            v = idx_v[j, pl.ds(i * 16, 16)]
            hi = lax.shift_right_logical(v, 7)
            lo = lax.bitwise_and(v, 127)
            plsc.addupdate_scatter(cnt_local, [hi, lo], ones16)
    plsc.subcore_barrier()
    for j in range(NCHUNK):
        pltpu.sync_copy(
            flat2_hbm.at[pl.ds(c * N_TOK + base + j * CHUNK, CHUNK)], rows_c)
        pltpu.sync_copy(rows_c, dw_sh.at[idx_v.at[j]], add=True)
    pltpu.sync_copy(cnt_local, cnt_sh.at[iota_v], add=True)
    plsc.subcore_barrier()
    pltpu.sync_copy(dw_sh.at[pl.ds(base, TPW)],
                    dw_hbm.at[pl.ds(c * K_EMB + base, TPW)])
    rpw = CNT_R // (NC * NS)
    pltpu.sync_copy(cnt_sh.at[pl.ds(c * (CNT_R // NC) + s * rpw, rpw)],
                    cnt_hbm.at[pl.ds(c * (CNT_R // NC) + s * rpw, rpw)])


def _stage_b(flat2, idx_rows, z128, iota):
    mesh = plsc.VectorSubcoreMesh(core_axis_name="c", subcore_axis_name="s")
    f = functools.partial(
        pl.kernel,
        out_type=(jax.ShapeDtypeStruct((NC * K_EMB, 128), jnp.float32),
                  jax.ShapeDtypeStruct((CNT_R, 128), jnp.float32)),
        mesh=mesh,
        scratch_types=[
            pltpu.VMEM((NCHUNK, CHUNK), jnp.int32),
            pltpu.VMEM((CHUNK, 128), jnp.float32),
            pltpu.VMEM((CNT_R, 128), jnp.float32),
            pltpu.VMEM((CNT_R,), jnp.int32),
            pltpu.VMEM_SHARED((K_EMB, 128), jnp.float32),
            pltpu.VMEM_SHARED((CNT_R, 128), jnp.float32),
            pltpu.SemaphoreType.DMA,
        ],
        compiler_params=pltpu.CompilerParams(needs_layout_passes=False),
    )(_scatter_body)
    return f(flat2, idx_rows, z128, iota)



RB = 512
NRB = K_EMB // RB


def _wnew_body(cnt_ref, ecs_ref, dw0_ref, dw1_ref, emaw_ref, wnew_ref, csn_ref):
    i = pl.program_id(0)

    @pl.when(i == 0)
    def _():
        cs = ecs_ref[...] * DECAY + cnt_ref[...] * (1.0 - DECAY)
        n = jnp.sum(cs)
        csn_ref[...] = (cs + EPSILON) / (n + K_EMB * EPSILON) * n

    dw = jnp.concatenate([dw0_ref[...], dw1_ref[...]], axis=1)
    ema_w_new = emaw_ref[...] * DECAY + dw * (1.0 - DECAY)
    wnew_ref[...] = ema_w_new / csn_ref[pl.ds(i * RB, RB), :]


def _stage_c(cnt2d, ecs2d, dw_halves, ema_w):
    return pl.pallas_call(
        _wnew_body,
        grid=(NRB,),
        in_specs=[
            pl.BlockSpec((K_EMB, 1), lambda i: (0, 0)),
            pl.BlockSpec((K_EMB, 1), lambda i: (0, 0)),
            pl.BlockSpec((RB, 128), lambda i: (i, 0)),
            pl.BlockSpec((RB, 128), lambda i: (NRB + i, 0)),
            pl.BlockSpec((RB, D_EMB), lambda i: (i, 0)),
        ],
        out_specs=pl.BlockSpec((RB, D_EMB), lambda i: (i, 0)),
        out_shape=jax.ShapeDtypeStruct((K_EMB, D_EMB), jnp.float32),
        scratch_shapes=[pltpu.VMEM((K_EMB, 1), jnp.float32)],
        compiler_params=pltpu.CompilerParams(
            dimension_semantics=("arbitrary",)),
    )(cnt2d, ecs2d, dw_halves, dw_halves, ema_w)



GPW = N_TOK // (NC * NS)
GCHUNK = GPW // CHUNK


def _gather_body(wnew_hbm, idxr_hbm, q_hbm, idx_v, rows_v, sem):
    c = lax.axis_index("c")
    s = lax.axis_index("s")
    wid = s * NC + c
    pltpu.sync_copy(idxr_hbm.at[pl.ds(wid * GCHUNK, GCHUNK)], idx_v)
    for j in range(GCHUNK):
        pltpu.async_copy(wnew_hbm.at[idx_v.at[j]],
                         rows_v.at[pl.ds(j * CHUNK, CHUNK)], sem).wait()
    pltpu.sync_copy(rows_v, q_hbm.at[pl.ds(wid * GPW, GPW)])


def _stage_d(wnew, idx_rows):
    mesh = plsc.VectorSubcoreMesh(core_axis_name="c", subcore_axis_name="s")
    f = functools.partial(
        pl.kernel,
        out_type=jax.ShapeDtypeStruct((N_TOK, D_EMB), jnp.float32),
        mesh=mesh,
        scratch_types=[
            pltpu.VMEM((GCHUNK, CHUNK), jnp.int32),
            pltpu.VMEM((GPW, D_EMB), jnp.float32),
            pltpu.SemaphoreType.DMA,
        ],
    )(_gather_body)
    return f(wnew, idx_rows)




def _loss_body(q_ref, x_ref, qst_ref, loss_ref):
    q = q_ref[...]
    xx = x_ref[...]
    d = q - xx
    qst_ref[...] = xx + d
    loss_ref[0, 0] = jnp.sum(d * d) * (COMMITMENT_COST / (N_TOK * D_EMB))


def _stage_e(qflat, flat):
    return pl.pallas_call(
        _loss_body,
        out_specs=[
            pl.BlockSpec(memory_space=pltpu.VMEM),
            pl.BlockSpec(memory_space=pltpu.SMEM),
        ],
        out_shape=[
            jax.ShapeDtypeStruct((N_TOK, D_EMB), jnp.float32),
            jax.ShapeDtypeStruct((1, 1), jnp.float32),
        ],
        compiler_params=pltpu.CompilerParams(
            vmem_limit_bytes=100 * 1024 * 1024),
    )(qflat, flat)




def kernel(x, W, ema_cluster_size, ema_w):
    inputs = jnp.transpose(x, (0, 2, 3, 1))
    input_shape = inputs.shape
    flat = inputs.reshape(N_TOK, D_EMB)
    fsq = jnp.sum(flat ** 2, axis=1, keepdims=True)
    wsq2d = jnp.sum(W ** 2, axis=1)[None, :]

    idx2d = _stage_a(fsq, wsq2d, flat, W)
    idx_rows = idx2d.reshape(N_TOK // CHUNK, CHUNK)

    flat2 = jnp.concatenate([flat[:, :128], flat[:, 128:]], axis=0)
    z128 = jnp.zeros((K_EMB, 128), jnp.float32)
    iota = jnp.arange(CNT_R, dtype=jnp.int32)
    dw_halves, cnt = _stage_b(flat2, idx_rows, z128, iota)

    wnew = _stage_c(cnt.reshape(K_EMB, 1), ema_cluster_size.reshape(K_EMB, 1),
                    dw_halves, ema_w)
    qflat = _stage_d(wnew, idx_rows)
    qst, loss11 = _stage_e(qflat, flat)

    quantized = jnp.transpose(qst.reshape(input_shape), (0, 3, 1, 2))
    return (loss11[0, 0], quantized, idx2d)

# --- scband reference (transcript-rebuilt; emitter-appended) ---
"""Pipeline reference for scband-vector-quantizer-ema-30227979829912 (READ-ONLY COPY).

The authoritative reference and input builder live on the scoring server;
editing this copy changes nothing except your own understanding.
"""

import jax, jax.numpy as jnp
import numpy as np

NUM_EMBEDDINGS = 8192
EMBEDDING_DIM = 256
COMMITMENT_COST = 0.25
DECAY = 0.99
EPSILON = 1e-05


def setup_inputs(seed: int = 0) -> dict:
    key = jax.random.key(seed)
    k1, k2 = jax.random.split(key)
    x = jax.random.normal(k1, (8, 256, 32, 32), dtype=jnp.float32)
    W = jax.random.normal(k2, (NUM_EMBEDDINGS, EMBEDDING_DIM), dtype=jnp.float32)
    ema_cluster_size = jnp.zeros((NUM_EMBEDDINGS,), dtype=jnp.float32)
    ema_w = W  # buffer initialized as clone of embedding weight
    return {"x": x, "W": W, "ema_cluster_size": ema_cluster_size, "ema_w": ema_w}


def reference(x, W, ema_cluster_size, ema_w):
    # inputs.permute(0, 2, 3, 1)
    inputs = jnp.transpose(x, (0, 2, 3, 1))
    input_shape = inputs.shape
    flat = inputs.reshape(-1, EMBEDDING_DIM)
    # pairwise squared distances to codebook
    distances = (jnp.sum(flat ** 2, axis=1, keepdims=True)
                 + jnp.sum(W ** 2, axis=1)
                 - 2.0 * jnp.matmul(flat, W.T))
    encoding_indices = jnp.argmin(distances, axis=1)
    N = flat.shape[0]
    encodings = jnp.zeros((N, NUM_EMBEDDINGS), dtype=jnp.float32)
    encodings = encodings.at[jnp.arange(N), encoding_indices].set(1.0)
    # training-mode EMA codebook update (torch uses .data ops -> no gradient)
    dw = jax.lax.stop_gradient(jnp.matmul(encodings.T, flat))
    sync_cluster_size = jax.lax.stop_gradient(jnp.sum(encodings, axis=0))
    cs = ema_cluster_size * DECAY + sync_cluster_size * (1.0 - DECAY)
    n = jnp.sum(cs)
    cs = (cs + EPSILON) / (n + NUM_EMBEDDINGS * EPSILON) * n
    ema_w_new = ema_w * DECAY + dw * (1.0 - DECAY)
    W_new = jax.lax.stop_gradient(ema_w_new / cs[:, None])
    quantized = jnp.matmul(encodings, W_new).reshape(input_shape)
    e_latent_loss = jnp.mean((jax.lax.stop_gradient(quantized) - inputs) ** 2)
    loss = COMMITMENT_COST * e_latent_loss
    quantized = inputs + jax.lax.stop_gradient(quantized - inputs)  # straight-through
    return (loss, jnp.transpose(quantized, (0, 3, 1, 2)), encoding_indices[:, None])

if __name__ == "__main__":
    import jax
    _d = setup_inputs()
    print(jax.jit(kernel)(*tuple(_d.values())))

</pallas_src>

<mosaic_0001>
#map = affine_map<(d0, d1) -> (0, 0)>
#map1 = affine_map<(d0, d1) -> (0)>
module attributes {stable_mosaic.version = 14 : i64} {
  func.func @_scatter_body(%arg0: i32, %arg1: i32, %arg2: memref<16384x128xf32, #tpu.memory_space<hbm>>, %arg3: memref<64x128xi32, #tpu.memory_space<hbm>>, %arg4: memref<8192x128xf32, #tpu.memory_space<hbm>>, %arg5: memref<64xi32, #tpu.memory_space<hbm>>, %arg6: memref<16384x128xf32, #tpu.memory_space<hbm>>, %arg7: memref<64x128xf32, #tpu.memory_space<hbm>>, %arg8: memref<4x128xi32, #tpu.memory_space<vmem>>, %arg9: memref<128x128xf32, #tpu.memory_space<vmem>>, %arg10: memref<64x128xf32, #tpu.memory_space<vmem>>, %arg11: memref<64xi32, #tpu.memory_space<vmem>>, %arg12: memref<8192x128xf32, #tpu.memory_space<vmem_shared>>, %arg13: memref<64x128xf32, #tpu.memory_space<vmem_shared>>, %arg14: memref<!tpu.dma_semaphore, #tpu.memory_space<semaphore_mem>>) attributes {dimension_semantics = [#tpu.dimension_semantics<core_parallel>, #tpu.dimension_semantics<subcore_parallel>], iteration_bounds = array<i64: 2, 16>, scalar_prefetch = 0 : i64, scratch_operands = 7 : i64, tpu.core_type = #tpu.core_type<sc_vector_subcore>, window_params = [{transform_indices = #map}, {transform_indices = #map}, {transform_indices = #map}, {transform_indices = #map1}, {transform_indices = #map}, {transform_indices = #map}]} {
    %mul3A = arith.constant 512 : i32
    %mul3A_0 = arith.muli %arg1, %mul3A : i32
    "tpu.region"() ({
      %run_scoped3A_359 = tpu.sem_alloc : memref<!tpu.dma_semaphore, #tpu.memory_space<semaphore_mem>>
      %dma_start3A = arith.constant 0 : i32
      %dma_start3A_360 = tpu.memref_slice %arg12[%mul3A_0, %dma_start3A] : memref<8192x128xf32, #tpu.memory_space<vmem_shared>> -> memref<512x128xf32, #tpu.memory_space<vmem_shared>>
      %dma_start3A_361 = arith.constant 0 : i32
      %dma_start3A_362 = tpu.memref_slice %arg4[%mul3A_0, %dma_start3A_361] : memref<8192x128xf32, #tpu.memory_space<hbm>> -> memref<512x128xf32, #tpu.memory_space<hbm>>
      tpu.enqueue_dma source(%dma_start3A_362 : memref<512x128xf32, #tpu.memory_space<hbm>>) target(%dma_start3A_360 : memref<512x128xf32, #tpu.memory_space<vmem_shared>>) target_semaphore(%run_scoped3A_359 : memref<!tpu.dma_semaphore, #tpu.memory_space<semaphore_mem>>)
      %dma_wait3A = arith.constant 0 : i32
      %dma_wait3A_363 = tpu.memref_slice %arg12[%mul3A_0, %dma_wait3A] : memref<8192x128xf32, #tpu.memory_space<vmem_shared>> -> memref<512x128xf32, #tpu.memory_space<vmem_shared>>
      %dma_wait3A_364 = arith.constant 0 : i32
      %dma_wait3A_365 = tpu.memref_slice %arg4[%mul3A_0, %dma_wait3A_364] : memref<8192x128xf32, #tpu.memory_space<hbm>> -> memref<512x128xf32, #tpu.memory_space<hbm>>
      tpu.wait_dma2 semaphore(%run_scoped3A_359 : memref<!tpu.dma_semaphore, #tpu.memory_space<semaphore_mem>>) src(%dma_wait3A_365 : memref<512x128xf32, #tpu.memory_space<hbm>>) dst(%dma_wait3A_363 : memref<512x128xf32, #tpu.memory_space<vmem_shared>>)
      tpu.yield
    }) : () -> ()
    "tpu.region"() ({
      %run_scoped3A_359 = tpu.sem_alloc : memref<!tpu.dma_semaphore, #tpu.memory_space<semaphore_mem>>
      %dma_start3A = arith.constant 0 : i32
      %dma_start3A_360 = arith.constant 0 : i32
      %dma_start3A_361 = tpu.memref_slice %arg4[%dma_start3A, %dma_start3A_360] : memref<8192x128xf32, #tpu.memory_space<hbm>> -> memref<64x128xf32, #tpu.memory_space<hbm>>
      %dma_start3A_362 = arith.constant 0 : i32
      %dma_start3A_363 = arith.constant 0 : i32
      %dma_start3A_364 = tpu.memref_slice %arg4[%dma_start3A_362, %dma_start3A_363] : memref<8192x128xf32, #tpu.memory_space<hbm>> -> memref<64x128xf32, #tpu.memory_space<hbm>>
      tpu.enqueue_dma source(%dma_start3A_364 : memref<64x128xf32, #tpu.memory_space<hbm>>) target(%arg10 : memref<64x128xf32, #tpu.memory_space<vmem>>) target_semaphore(%run_scoped3A_359 : memref<!tpu.dma_semaphore, #tpu.memory_space<semaphore_mem>>)
      %dma_wait3A = arith.constant 0 : i32
      %dma_wait3A_365 = arith.constant 0 : i32
      %dma_wait3A_366 = tpu.memref_slice %arg4[%dma_wait3A, %dma_wait3A_365] : memref<8192x128xf32, #tpu.memory_space<hbm>> -> memref<64x128xf32, #tpu.memory_space<hbm>>
      %dma_wait3A_367 = arith.constant 0 : i32
      %dma_wait3A_368 = arith.constant 0 : i32
      %dma_wait3A_369 = tpu.memref_slice %arg4[%dma_wait3A_367, %dma_wait3A_368] : memref<8192x128xf32, #tpu.memory_space<hbm>> -> memref<64x128xf32, #tpu.memory_space<hbm>>
      tpu.wait_dma2 semaphore(%run_scoped3A_359 : memref<!tpu.dma_semaphore, #tpu.memory_space<semaphore_mem>>) src(%dma_wait3A_369 : memref<64x128xf32, #tpu.memory_space<hbm>>) dst(%arg10 : memref<64x128xf32, #tpu.memory_space<vmem>>)
      tpu.yield
    }) : () -> ()
    %mul3A_1 = arith.constant 4 : i32
    %mul3A_2 = arith.muli %arg1, %mul3A_1 : i32
    "tpu.region"() ({
      %run_scoped3A_359 = tpu.sem_alloc : memref<!tpu.dma_semaphore, #tpu.memory_space<semaphore_mem>>
      %dma_start3A = arith.constant 0 : i32
      %dma_start3A_360 = tpu.memref_slice %arg3[%mul3A_2, %dma_start3A] : memref<64x128xi32, #tpu.memory_space<hbm>> -> memref<4x128xi32, #tpu.memory_space<hbm>>
      %dma_start3A_361 = arith.constant 0 : i32
      %dma_start3A_362 = tpu.memref_slice %arg3[%mul3A_2, %dma_start3A_361] : memref<64x128xi32, #tpu.memory_space<hbm>> -> memref<4x128xi32, #tpu.memory_space<hbm>>
      tpu.enqueue_dma source(%dma_start3A_362 : memref<4x128xi32, #tpu.memory_space<hbm>>) target(%arg8 : memref<4x128xi32, #tpu.memory_space<vmem>>) target_semaphore(%run_scoped3A_359 : memref<!tpu.dma_semaphore, #tpu.memory_space<semaphore_mem>>)
      %dma_wait3A = arith.constant 0 : i32
      %dma_wait3A_363 = tpu.memref_slice %arg3[%mul3A_2, %dma_wait3A] : memref<64x128xi32, #tpu.memory_space<hbm>> -> memref<4x128xi32, #tpu.memory_space<hbm>>
      %dma_wait3A_364 = arith.constant 0 : i32
      %dma_wait3A_365 = tpu.memref_slice %arg3[%mul3A_2, %dma_wait3A_364] : memref<64x128xi32, #tpu.memory_space<hbm>> -> memref<4x128xi32, #tpu.memory_space<hbm>>
      tpu.wait_dma2 semaphore(%run_scoped3A_359 : memref<!tpu.dma_semaphore, #tpu.memory_space<semaphore_mem>>) src(%dma_wait3A_365 : memref<4x128xi32, #tpu.memory_space<hbm>>) dst(%arg8 : memref<4x128xi32, #tpu.memory_space<vmem>>)
      tpu.yield
    }) : () -> ()
    "tpu.region"() ({
      %run_scoped3A_359 = tpu.sem_alloc : memref<!tpu.dma_semaphore, #tpu.memory_space<semaphore_mem>>
      tpu.enqueue_dma source(%arg5 : memref<64xi32, #tpu.memory_space<hbm>>) target(%arg11 : memref<64xi32, #tpu.memory_space<vmem>>) target_semaphore(%run_scoped3A_359 : memref<!tpu.dma_semaphore, #tpu.memory_space<semaphore_mem>>)
      tpu.wait_dma2 semaphore(%run_scoped3A_359 : memref<!tpu.dma_semaphore, #tpu.memory_space<semaphore_mem>>) src(%arg5 : memref<64xi32, #tpu.memory_space<hbm>>) dst(%arg11 : memref<64xi32, #tpu.memory_space<vmem>>)
      tpu.yield
    }) : () -> ()
    %eq3A = arith.constant 0 : i32
    %eq3A_3 = arith.cmpi eq, %arg1, %eq3A : i32
    %convert_element_type3A = arith.extui %eq3A_3 : i1 to i32
    %cond3A = arith.constant 0 : i32
    %cond3A_4 = arith.cmpi ne, %convert_element_type3A, %cond3A : i32
    scf.if %cond3A_4 {
      "tpu.region"() ({
        %run_scoped3A_359 = tpu.sem_alloc : memref<!tpu.dma_semaphore, #tpu.memory_space<semaphore_mem>>
        %dma_start3A = arith.constant 0 : i32
        %dma_start3A_360 = arith.constant 0 : i32
        %dma_start3A_361 = tpu.memref_slice %arg4[%dma_start3A, %dma_start3A_360] : memref<8192x128xf32, #tpu.memory_space<hbm>> -> memref<64x128xf32, #tpu.memory_space<hbm>>
        tpu.enqueue_dma source(%dma_start3A_361 : memref<64x128xf32, #tpu.memory_space<hbm>>) target(%arg13 : memref<64x128xf32, #tpu.memory_space<vmem_shared>>) target_semaphore(%run_scoped3A_359 : memref<!tpu.dma_semaphore, #tpu.memory_space<semaphore_mem>>)
        %dma_wait3A = arith.constant 0 : i32
        %dma_wait3A_362 = arith.constant 0 : i32
        %dma_wait3A_363 = tpu.memref_slice %arg4[%dma_wait3A, %dma_wait3A_362] : memref<8192x128xf32, #tpu.memory_space<hbm>> -> memref<64x128xf32, #tpu.memory_space<hbm>>
        tpu.wait_dma2 semaphore(%run_scoped3A_359 : memref<!tpu.dma_semaphore, #tpu.memory_space<semaphore_mem>>) src(%dma_wait3A_363 : memref<64x128xf32, #tpu.memory_space<hbm>>) dst(%arg13 : memref<64x128xf32, #tpu.memory_space<vmem_shared>>)
        tpu.yield
      }) : () -> ()
    } else {
    }
    %broadcast_in_dim3A = arith.constant 1.000000e+00 : f32
    %broadcast_in_dim3A_5 = vector.broadcast %broadcast_in_dim3A : f32 to vector<16xf32>
    %get3A = arith.constant 0 : i32
    %get3A_6 = arith.index_cast %get3A : i32 to index
    %get3A_7 = arith.constant 0 : index
    %get3A_8 = tpu.vector_load %arg8[%get3A_6, %get3A_7] {strides = array<i32>} : memref<4x128xi32, #tpu.memory_space<vmem>>, vector<16xi32>,
    %shift_right_logical3A = arith.constant 7 : i32
    %shift_right_logical3A_9 = vector.broadcast %shift_right_logical3A : i32 to vector<16xi32>
    %shift_right_logical3A_10 = arith.shrui %get3A_8, %shift_right_logical3A_9 : vector<16xi32>
    %and3A = arith.constant 127 : i32
    %and3A_11 = vector.broadcast %and3A : i32 to vector<16xi32>
    %and3A_12 = arith.andi %get3A_8, %and3A_11 : vector<16xi32>
    tpu.vector_store_idx %arg10[%shift_right_logical3A_10, %and3A_12], %broadcast_in_dim3A_5 {add = true} : memref<64x128xf32, #tpu.memory_space<vmem>>[vector<16xi32>, vector<16xi32>], vector<16xf32>,
    %get3A_13 = arith.constant 0 : i32
    %get3A_14 = arith.index_cast %get3A_13 : i32 to index
    %get3A_15 = arith.constant 16 : index
    %get3A_16 = tpu.vector_load %arg8[%get3A_14, %get3A_15] {strides = array<i32>} : memref<4x128xi32, #tpu.memory_space<vmem>>, vector<16xi32>,
    %shift_right_logical3A_17 = arith.constant 7 : i32
    %shift_right_logical3A_18 = vector.broadcast %shift_right_logical3A_17 : i32 to vector<16xi32>
    %shift_right_logical3A_19 = arith.shrui %get3A_16, %shift_right_logical3A_18 : vector<16xi32>
    %and3A_20 = arith.constant 127 : i32
    %and3A_21 = vector.broadcast %and3A_20 : i32 to vector<16xi32>
    %and3A_22 = arith.andi %get3A_16, %and3A_21 : vector<16xi32>
    tpu.vector_store_idx %arg10[%shift_right_logical3A_19, %and3A_22], %broadcast_in_dim3A_5 {add = true} : memref<64x128xf32, #tpu.memory_space<vmem>>[vector<16xi32>, vector<16xi32>], vector<16xf32>,
    %get3A_23 = arith.constant 0 : i32
    %get3A_24 = arith.index_cast %get3A_23 : i32 to index
    %get3A_25 = arith.constant 32 : index
    %get3A_26 = tpu.vector_load %arg8[%get3A_24, %get3A_25] {strides = array<i32>} : memref<4x128xi32, #tpu.memory_space<vmem>>, vector<16xi32>,
    %shift_right_logical3A_27 = arith.constant 7 : i32
    %shift_right_logical3A_28 = vector.broadcast %shift_right_logical3A_27 : i32 to vector<16xi32>
    %shift_right_logical3A_29 = arith.shrui %get3A_26, %shift_right_logical3A_28 : vector<16xi32>
    %and3A_30 = arith.constant 127 : i32
    %and3A_31 = vector.broadcast %and3A_30 : i32 to vector<16xi32>
    %and3A_32 = arith.andi %get3A_26, %and3A_31 : vector<16xi32>
    tpu.vector_store_idx %arg10[%shift_right_logical3A_29, %and3A_32], %broadcast_in_dim3A_5 {add = true} : memref<64x128xf32, #tpu.memory_space<vmem>>[vector<16xi32>, vector<16xi32>], vector<16xf32>,
    %get3A_33 = arith.constant 0 : i32
    %get3A_34 = arith.index_cast %get3A_33 : i32 to index
    %get3A_35 = arith.constant 48 : index
    %get3A_36 = tpu.vector_load %arg8[%get3A_34, %get3A_35] {strides = array<i32>} : memref<4x128xi32, #tpu.memory_space<vmem>>, vector<16xi32>,
    %shift_right_logical3A_37 = arith.constant 7 : i32
    %shift_right_logical3A_38 = vector.broadcast %shift_right_logical3A_37 : i32 to vector<16xi32>
    %shift_right_logical3A_39 = arith.shrui %get3A_36, %shift_right_logical3A_38 : vector<16xi32>
    %and3A_40 = arith.constant 127 : i32
    %and3A_41 = vector.broadcast %and3A_40 : i32 to vector<16xi32>
    %and3A_42 = arith.andi %get3A_36, %and3A_41 : vector<16xi32>
    tpu.vector_store_idx %arg10[%shift_right_logical3A_39, %and3A_42], %broadcast_in_dim3A_5 {add = true} : memref<64x128xf32, #tpu.memory_space<vmem>>[vector<16xi32>, vector<16xi32>], vector<16xf32>,
    %get3A_43 = arith.constant 0 : i32
    %get3A_44 = arith.index_cast %get3A_43 : i32 to index
    %get3A_45 = arith.constant 64 : index
    %get3A_46 = tpu.vector_load %arg8[%get3A_44, %get3A_45] {strides = array<i32>} : memref<4x128xi32, #tpu.memory_space<vmem>>, vector<16xi32>,
    %shift_right_logical3A_47 = arith.constant 7 : i32
    %shift_right_logical3A_48 = vector.broadcast %shift_right_logical3A_47 : i32 to vector<16xi32>
    %shift_right_logical3A_49 = arith.shrui %get3A_46, %shift_right_logical3A_48 : vector<16xi32>
    %and3A_50 = arith.constant 127 : i32
    %and3A_51 = vector.broadcast %and3A_50 : i32 to vector<16xi32>
    %and3A_52 = arith.andi %get3A_46, %and3A_51 : vector<16xi32>
    tpu.vector_store_idx %arg10[%shift_right_logical3A_49, %and3A_52], %broadcast_in_dim3A_5 {add = true} : memref<64x128xf32, #tpu.memory_space<vmem>>[vector<16xi32>, vector<16xi32>], vector<16xf32>,
    %get3A_53 = arith.constant 0 : i32
    %get3A_54 = arith.index_cast %get3A_53 : i32 to index
    %get3A_55 = arith.constant 80 : index
    %get3A_56 = tpu.vector_load %arg8[%get3A_54, %get3A_55] {strides = array<i32>} : memref<4x128xi32, #tpu.memory_space<vmem>>, vector<16xi32>,
    %shift_right_logical3A_57 = arith.constant 7 : i32
    %shift_right_logical3A_58 = vector.broadcast %shift_right_logical3A_57 : i32 to vector<16xi32>
    %shift_right_logical3A_59 = arith.shrui %get3A_56, %shift_right_logical3A_58 : vector<16xi32>
    %and3A_60 = arith.constant 127 : i32
    %and3A_61 = vector.broadcast %and3A_60 : i32 to vector<16xi32>
    %and3A_62 = arith.andi %get3A_56, %and3A_61 : vector<16xi32>
    tpu.vector_store_idx %arg10[%shift_right_logical3A_59, %and3A_62], %broadcast_in_dim3A_5 {add = true} : memref<64x128xf32, #tpu.memory_space<vmem>>[vector<16xi32>, vector<16xi32>], vector<16xf32>,
    %get3A_63 = arith.constant 0 : i32
    %get3A_64 = arith.index_cast %get3A_63 : i32 to index
    %get3A_65 = arith.constant 96 : index
    %get3A_66 = tpu.vector_load %arg8[%get3A_64, %get3A_65] {strides = array<i32>} : memref<4x128xi32, #tpu.memory_space<vmem>>, vector<16xi32>,
    %shift_right_logical3A_67 = arith.constant 7 : i32
    %shift_right_logical3A_68 = vector.broadcast %shift_right_logical3A_67 : i32 to vector<16xi32>
    %shift_right_logical3A_69 = arith.shrui %get3A_66, %shift_right_logical3A_68 : vector<16xi32>
    %and3A_70 = arith.constant 127 : i32
    %and3A_71 = vector.broadcast %and3A_70 : i32 to vector<16xi32>
    %and3A_72 = arith.andi %get3A_66, %and3A_71 : vector<16xi32>
    tpu.vector_store_idx %arg10[%shift_right_logical3A_69, %and3A_72], %broadcast_in_dim3A_5 {add = true} : memref<64x128xf32, #tpu.memory_space<vmem>>[vector<16xi32>, vector<16xi32>], vector<16xf32>,
    %get3A_73 = arith.constant 0 : i32
    %get3A_74 = arith.index_cast %get3A_73 : i32 to index
    %get3A_75 = arith.constant 112 : index
    %get3A_76 = tpu.vector_load %arg8[%get3A_74, %get3A_75] {strides = array<i32>} : memref<4x128xi32, #tpu.memory_space<vmem>>, vector<16xi32>,
    %shift_right_logical3A_77 = arith.constant 7 : i32
    %shift_right_logical3A_78 = vector.broadcast %shift_right_logical3A_77 : i32 to vector<16xi32>
    %shift_right_logical3A_79 = arith.shrui %get3A_76, %shift_right_logical3A_78 : vector<16xi32>
    %and3A_80 = arith.constant 127 : i32
    %and3A_81 = vector.broadcast %and3A_80 : i32 to vector<16xi32>
    %and3A_82 = arith.andi %get3A_76, %and3A_81 : vector<16xi32>
    tpu.vector_store_idx %arg10[%shift_right_logical3A_79, %and3A_82], %broadcast_in_dim3A_5 {add = true} : memref<64x128xf32, #tpu.memory_space<vmem>>[vector<16xi32>, vector<16xi32>], vector<16xf32>,
    %get3A_83 = arith.constant 1 : i32
    %get3A_84 = arith.index_cast %get3A_83 : i32 to index
    %get3A_85 = arith.constant 0 : index
    %get3A_86 = tpu.vector_load %arg8[%get3A_84, %get3A_85] {strides = array<i32>} : memref<4x128xi32, #tpu.memory_space<vmem>>, vector<16xi32>,
    %shift_right_logical3A_87 = arith.constant 7 : i32
    %shift_right_logical3A_88 = vector.broadcast %shift_right_logical3A_87 : i32 to vector<16xi32>
    %shift_right_logical3A_89 = arith.shrui %get3A_86, %shift_right_logical3A_88 : vector<16xi32>
    %and3A_90 = arith.constant 127 : i32
    %and3A_91 = vector.broadcast %and3A_90 : i32 to vector<16xi32>
    %and3A_92 = arith.andi %get3A_86, %and3A_91 : vector<16xi32>
    tpu.vector_store_idx %arg10[%shift_right_logical3A_89, %and3A_92], %broadcast_in_dim3A_5 {add = true} : memref<64x128xf32, #tpu.memory_space<vmem>>[vector<16xi32>, vector<16xi32>], vector<16xf32>,
    %get3A_93 = arith.constant 1 : i32
    %get3A_94 = arith.index_cast %get3A_93 : i32 to index
    %get3A_95 = arith.constant 16 : index
    %get3A_96 = tpu.vector_load %arg8[%get3A_94, %get3A_95] {strides = array<i32>} : memref<4x128xi32, #tpu.memory_space<vmem>>, vector<16xi32>,
    %shift_right_logical3A_97 = arith.constant 7 : i32
    %shift_right_logical3A_98 = vector.broadcast %shift_right_logical3A_97 : i32 to vector<16xi32>
    %shift_right_logical3A_99 = arith.shrui %get3A_96, %shift_right_logical3A_98 : vector<16xi32>
    %and3A_100 = arith.constant 127 : i32
    %and3A_101 = vector.broadcast %and3A_100 : i32 to vector<16xi32>
    %and3A_102 = arith.andi %get3A_96, %and3A_101 : vector<16xi32>
    tpu.vector_store_idx %arg10[%shift_right_logical3A_99, %and3A_102], %broadcast_in_dim3A_5 {add = true} : memref<64x128xf32, #tpu.memory_space<vmem>>[vector<16xi32>, vector<16xi32>], vector<16xf32>,
    %get3A_103 = arith.constant 1 : i32
    %get3A_104 = arith.index_cast %get3A_103 : i32 to index
    %get3A_105 = arith.constant 32 : index
    %get3A_106 = tpu.vector_load %arg8[%get3A_104, %get3A_105] {strides = array<i32>} : memref<4x128xi32, #tpu.memory_space<vmem>>, vector<16xi32>,
    %shift_right_logical3A_107 = arith.constant 7 : i32
    %shift_right_logical3A_108 = vector.broadcast %shift_right_logical3A_107 : i32 to vector<16xi32>
    %shift_right_logical3A_109 = arith.shrui %get3A_106, %shift_right_logical3A_108 : vector<16xi32>
    %and3A_110 = arith.constant 127 : i32
    %and3A_111 = vector.broadcast %and3A_110 : i32 to vector<16xi32>
    %and3A_112 = arith.andi %get3A_106, %and3A_111 : vector<16xi32>
    tpu.vector_store_idx %arg10[%shift_right_logical3A_109, %and3A_112], %broadcast_in_dim3A_5 {add = true} : memref<64x128xf32, #tpu.memory_space<vmem>>[vector<16xi32>, vector<16xi32>], vector<16xf32>,
    %get3A_113 = arith.constant 1 : i32
    %get3A_114 = arith.index_cast %get3A_113 : i32 to index
    %get3A_115 = arith.constant 48 : index
    %get3A_116 = tpu.vector_load %arg8[%get3A_114, %get3A_115] {strides = array<i32>} : memref<4x128xi32, #tpu.memory_space<vmem>>, vector<16xi32>,
    %shift_right_logical3A_117 = arith.constant 7 : i32
    %shift_right_logical3A_118 = vector.broadcast %shift_right_logical3A_117 : i32 to vector<16xi32>
    %shift_right_logical3A_119 = arith.shrui %get3A_116, %shift_right_logical3A_118 : vector<16xi32>
    %and3A_120 = arith.constant 127 : i32
    %and3A_121 = vector.broadcast %and3A_120 : i32 to vector<16xi32>
    %and3A_122 = arith.andi %get3A_116, %and3A_121 : vector<16xi32>
    tpu.vector_store_idx %arg10[%shift_right_logical3A_119, %and3A_122], %broadcast_in_dim3A_5 {add = true} : memref<64x128xf32, #tpu.memory_space<vmem>>[vector<16xi32>, vector<16xi32>], vector<16xf32>,
    %get3A_123 = arith.constant 1 : i32
    %get3A_124 = arith.index_cast %get3A_123 : i32 to index
    %get3A_125 = arith.constant 64 : index
    %get3A_126 = tpu.vector_load %arg8[%get3A_124, %get3A_125] {strides = array<i32>} : memref<4x128xi32, #tpu.memory_space<vmem>>, vector<16xi32>,
    %shift_right_logical3A_127 = arith.constant 7 : i32
    %shift_right_logical3A_128 = vector.broadcast %shift_right_logical3A_127 : i32 to vector<16xi32>
    %shift_right_logical3A_129 = arith.shrui %get3A_126, %shift_right_logical3A_128 : vector<16xi32>
    %and3A_130 = arith.constant 127 : i32
    %and3A_131 = vector.broadcast %and3A_130 : i32 to vector<16xi32>
    %and3A_132 = arith.andi %get3A_126, %and3A_131 : vector<16xi32>
    tpu.vector_store_idx %arg10[%shift_right_logical3A_129, %and3A_132], %broadcast_in_dim3A_5 {add = true} : memref<64x128xf32, #tpu.memory_space<vmem>>[vector<16xi32>, vector<16xi32>], vector<16xf32>,
    %get3A_133 = arith.constant 1 : i32
    %get3A_134 = arith.index_cast %get3A_133 : i32 to index
    %get3A_135 = arith.constant 80 : index
    %get3A_136 = tpu.vector_load %arg8[%get3A_134, %get3A_135] {strides = array<i32>} : memref<4x128xi32, #tpu.memory_space<vmem>>, vector<16xi32>,
    %shift_right_logical3A_137 = arith.constant 7 : i32
    %shift_right_logical3A_138 = vector.broadcast %shift_right_logical3A_137 : i32 to vector<16xi32>
    %shift_right_logical3A_139 = arith.shrui %get3A_136, %shift_right_logical3A_138 : vector<16xi32>
    %and3A_140 = arith.constant 127 : i32
    %and3A_141 = vector.broadcast %and3A_140 : i32 to vector<16xi32>
    %and3A_142 = arith.andi %get3A_136, %and3A_141 : vector<16xi32>
    tpu.vector_store_idx %arg10[%shift_right_logical3A_139, %and3A_142], %broadcast_in_dim3A_5 {add = true} : memref<64x128xf32, #tpu.memory_space<vmem>>[vector<16xi32>, vector<16xi32>], vector<16xf32>,
    %get3A_143 = arith.constant 1 : i32
    %get3A_144 = arith.index_cast %get3A_143 : i32 to index
    %get3A_145 = arith.constant 96 : index
    %get3A_146 = tpu.vector_load %arg8[%get3A_144, %get3A_145] {strides = array<i32>} : memref<4x128xi32, #tpu.memory_space<vmem>>, vector<16xi32>,
    %shift_right_logical3A_147 = arith.constant 7 : i32
    %shift_right_logical3A_148 = vector.broadcast %shift_right_logical3A_147 : i32 to vector<16xi32>
    %shift_right_logical3A_149 = arith.shrui %get3A_146, %shift_right_logical3A_148 : vector<16xi32>
    %and3A_150 = arith.constant 127 : i32
    %and3A_151 = vector.broadcast %and3A_150 : i32 to vector<16xi32>
    %and3A_152 = arith.andi %get3A_146, %and3A_151 : vector<16xi32>
    tpu.vector_store_idx %arg10[%shift_right_logical3A_149, %and3A_152], %broadcast_in_dim3A_5 {add = true} : memref<64x128xf32, #tpu.memory_space<vmem>>[vector<16xi32>, vector<16xi32>], vector<16xf32>,
    %get3A_153 = arith.constant 1 : i32
    %get3A_154 = arith.index_cast %get3A_153 : i32 to index
    %get3A_155 = arith.constant 112 : index
    %get3A_156 = tpu.vector_load %arg8[%get3A_154, %get3A_155] {strides = array<i32>} : memref<4x128xi32, #tpu.memory_space<vmem>>, vector<16xi32>,
    %shift_right_logical3A_157 = arith.constant 7 : i32
    %shift_right_logical3A_158 = vector.broadcast %shift_right_logical3A_157 : i32 to vector<16xi32>
    %shift_right_logical3A_159 = arith.shrui %get3A_156, %shift_right_logical3A_158 : vector<16xi32>
    %and3A_160 = arith.constant 127 : i32
    %and3A_161 = vector.broadcast %and3A_160 : i32 to vector<16xi32>
    %and3A_162 = arith.andi %get3A_156, %and3A_161 : vector<16xi32>
    tpu.vector_store_idx %arg10[%shift_right_logical3A_159, %and3A_162], %broadcast_in_dim3A_5 {add = true} : memref<64x128xf32, #tpu.memory_space<vmem>>[vector<16xi32>, vector<16xi32>], vector<16xf32>,
    %get3A_163 = arith.constant 2 : i32
    %get3A_164 = arith.index_cast %get3A_163 : i32 to index
    %get3A_165 = arith.constant 0 : index
    %get3A_166 = tpu.vector_load %arg8[%get3A_164, %get3A_165] {strides = array<i32>} : memref<4x128xi32, #tpu.memory_space<vmem>>, vector<16xi32>,
    %shift_right_logical3A_167 = arith.constant 7 : i32
    %shift_right_logical3A_168 = vector.broadcast %shift_right_logical3A_167 : i32 to vector<16xi32>
    %shift_right_logical3A_169 = arith.shrui %get3A_166, %shift_right_logical3A_168 : vector<16xi32>
    %and3A_170 = arith.constant 127 : i32
    %and3A_171 = vector.broadcast %and3A_170 : i32 to vector<16xi32>
    %and3A_172 = arith.andi %get3A_166, %and3A_171 : vector<16xi32>
    tpu.vector_store_idx %arg10[%shift_right_logical3A_169, %and3A_172], %broadcast_in_dim3A_5 {add = true} : memref<64x128xf32, #tpu.memory_space<vmem>>[vector<16xi32>, vector<16xi32>], vector<16xf32>,
    %get3A_173 = arith.constant 2 : i32
    %get3A_174 = arith.index_cast %get3A_173 : i32 to index
    %get3A_175 = arith.constant 16 : index
    %get3A_176 = tpu.vector_load %arg8[%get3A_174, %get3A_175] {strides = array<i32>} : memref<4x128xi32, #tpu.memory_space<vmem>>, vector<16xi32>,
    %shift_right_logical3A_177 = arith.constant 7 : i32
    %shift_right_logical3A_178 = vector.broadcast %shift_right_logical3A_177 : i32 to vector<16xi32>
    %shift_right_logical3A_179 = arith.shrui %get3A_176, %shift_right_logical3A_178 : vector<16xi32>
    %and3A_180 = arith.constant 127 : i32
    %and3A_181 = vector.broadcast %and3A_180 : i32 to vector<16xi32>
    %and3A_182 = arith.andi %get3A_176, %and3A_181 : vector<16xi32>
    tpu.vector_store_idx %arg10[%shift_right_logical3A_179, %and3A_182], %broadcast_in_dim3A_5 {add = true} : memref<64x128xf32, #tpu.memory_space<vmem>>[vector<16xi32>, vector<16xi32>], vector<16xf32>,
    %get3A_183 = arith.constant 2 : i32
    %get3A_184 = arith.index_cast %get3A_183 : i32 to index
    %get3A_185 = arith.constant 32 : index
    %get3A_186 = tpu.vector_load %arg8[%get3A_184, %get3A_185] {strides = array<i32>} : memref<4x128xi32, #tpu.memory_space<vmem>>, vector<16xi32>,
    %shift_right_logical3A_187 = arith.constant 7 : i32
    %shift_right_logical3A_188 = vector.broadcast %shift_right_logical3A_187 : i32 to vector<16xi32>
    %shift_right_logical3A_189 = arith.shrui %get3A_186, %shift_right_logical3A_188 : vector<16xi32>
    %and3A_190 = arith.constant 127 : i32
    %and3A_191 = vector.broadcast %and3A_190 : i32 to vector<16xi32>
    %and3A_192 = arith.andi %get3A_186, %and3A_191 : vector<16xi32>
    tpu.vector_store_idx %arg10[%shift_right_logical3A_189, %and3A_192], %broadcast_in_dim3A_5 {add = true} : memref<64x128xf32, #tpu.memory_space<vmem>>[vector<16xi32>, vector<16xi32>], vector<16xf32>,
    %get3A_193 = arith.constant 2 : i32
    %get3A_194 = arith.index_cast %get3A_193 : i32 to index
    %get3A_195 = arith.constant 48 : index
    %get3A_196 = tpu.vector_load %arg8[%get3A_194, %get3A_195] {strides = array<i32>} : memref<4x128xi32, #tpu.memory_space<vmem>>, vector<16xi32>,
    %shift_right_logical3A_197 = arith.constant 7 : i32
    %shift_right_logical3A_198 = vector.broadcast %shift_right_logical3A_197 : i32 to vector<16xi32>
    %shift_right_logical3A_199 = arith.shrui %get3A_196, %shift_right_logical3A_198 : vector<16xi32>
    %and3A_200 = arith.constant 127 : i32
    %and3A_201 = vector.broadcast %and3A_200 : i32 to vector<16xi32>
    %and3A_202 = arith.andi %get3A_196, %and3A_201 : vector<16xi32>
    tpu.vector_store_idx %arg10[%shift_right_logical3A_199, %and3A_202], %broadcast_in_dim3A_5 {add = true} : memref<64x128xf32, #tpu.memory_space<vmem>>[vector<16xi32>, vector<16xi32>], vector<16xf32>,
    %get3A_203 = arith.constant 2 : i32
    %get3A_204 = arith.index_cast %get3A_203 : i32 to index
    %get3A_205 = arith.constant 64 : index
    %get3A_206 = tpu.vector_load %arg8[%get3A_204, %get3A_205] {strides = array<i32>} : memref<4x128xi32, #tpu.memory_space<vmem>>, vector<16xi32>,
    %shift_right_logical3A_207 = arith.constant 7 : i32
    %shift_right_logical3A_208 = vector.broadcast %shift_right_logical3A_207 : i32 to vector<16xi32>
    %shift_right_logical3A_209 = arith.shrui %get3A_206, %shift_right_logical3A_208 : vector<16xi32>
    %and3A_210 = arith.constant 127 : i32
    %and3A_211 = vector.broadcast %and3A_210 : i32 to vector<16xi32>
    %and3A_212 = arith.andi %get3A_206, %and3A_211 : vector<16xi32>
    tpu.vector_store_idx %arg10[%shift_right_logical3A_209, %and3A_212], %broadcast_in_dim3A_5 {add = true} : memref<64x128xf32, #tpu.memory_space<vmem>>[vector<16xi32>, vector<16xi32>], vector<16xf32>,
    %get3A_213 = arith.constant 2 : i32
    %get3A_214 = arith.index_cast %get3A_213 : i32 to index
    %get3A_215 = arith.constant 80 : index
    %get3A_216 = tpu.vector_load %arg8[%get3A_214, %get3A_215] {strides = array<i32>} : memref<4x128xi32, #tpu.memory_space<vmem>>, vector<16xi32>,
    %shift_right_logical3A_217 = arith.constant 7 : i32
    %shift_right_logical3A_218 = vector.broadcast %shift_right_logical3A_217 : i32 to vector<16xi32>
    %shift_right_logical3A_219 = arith.shrui %get3A_216, %shift_right_logical3A_218 : vector<16xi32>
    %and3A_220 = arith.constant 127 : i32
    %and3A_221 = vector.broadcast %and3A_220 : i32 to vector<16xi32>
    %and3A_222 = arith.andi %get3A_216, %and3A_221 : vector<16xi32>
    tpu.vector_store_idx %arg10[%shift_right_logical3A_219, %and3A_222], %broadcast_in_dim3A_5 {add = true} : memref<64x128xf32, #tpu.memory_space<vmem>>[vector<16xi32>, vector<16xi32>], vector<16xf32>,
    %get3A_223 = arith.constant 2 : i32
    %get3A_224 = arith.index_cast %get3A_223 : i32 to index
    %get3A_225 = arith.constant 96 : index
    %get3A_226 = tpu.vector_load %arg8[%get3A_224, %get3A_225] {strides = array<i32>} : memref<4x128xi32, #tpu.memory_space<vmem>>, vector<16xi32>,
    %shift_right_logical3A_227 = arith.constant 7 : i32
    %shift_right_logical3A_228 = vector.broadcast %shift_right_logical3A_227 : i32 to vector<16xi32>
    %shift_right_logical3A_229 = arith.shrui %get3A_226, %shift_right_logical3A_228 : vector<16xi32>
    %and3A_230 = arith.constant 127 : i32
    %and3A_231 = vector.broadcast %and3A_230 : i32 to vector<16xi32>
    %and3A_232 = arith.andi %get3A_226, %and3A_231 : vector<16xi32>
    tpu.vector_store_idx %arg10[%shift_right_logical3A_229, %and3A_232], %broadcast_in_dim3A_5 {add = true} : memref<64x128xf32, #tpu.memory_space<vmem>>[vector<16xi32>, vector<16xi32>], vector<16xf32>,
    %get3A_233 = arith.constant 2 : i32
    %get3A_234 = arith.index_cast %get3A_233 : i32 to index
    %get3A_235 = arith.constant 112 : index
    %get3A_236 = tpu.vector_load %arg8[%get3A_234, %get3A_235] {strides = array<i32>} : memref<4x128xi32, #tpu.memory_space<vmem>>, vector<16xi32>,
    %shift_right_logical3A_237 = arith.constant 7 : i32
    %shift_right_logical3A_238 = vector.broadcast %shift_right_logical3A_237 : i32 to vector<16xi32>
    %shift_right_logical3A_239 = arith.shrui %get3A_236, %shift_right_logical3A_238 : vector<16xi32>
    %and3A_240 = arith.constant 127 : i32
    %and3A_241 = vector.broadcast %and3A_240 : i32 to vector<16xi32>
    %and3A_242 = arith.andi %get3A_236, %and3A_241 : vector<16xi32>
    tpu.vector_store_idx %arg10[%shift_right_logical3A_239, %and3A_242], %broadcast_in_dim3A_5 {add = true} : memref<64x128xf32, #tpu.memory_space<vmem>>[vector<16xi32>, vector<16xi32>], vector<16xf32>,
    %get3A_243 = arith.constant 3 : i32
    %get3A_244 = arith.index_cast %get3A_243 : i32 to index
    %get3A_245 = arith.constant 0 : index
    %get3A_246 = tpu.vector_load %arg8[%get3A_244, %get3A_245] {strides = array<i32>} : memref<4x128xi32, #tpu.memory_space<vmem>>, vector<16xi32>,
    %shift_right_logical3A_247 = arith.constant 7 : i32
    %shift_right_logical3A_248 = vector.broadcast %shift_right_logical3A_247 : i32 to vector<16xi32>
    %shift_right_logical3A_249 = arith.shrui %get3A_246, %shift_right_logical3A_248 : vector<16xi32>
    %and3A_250 = arith.constant 127 : i32
    %and3A_251 = vector.broadcast %and3A_250 : i32 to vector<16xi32>
    %and3A_252 = arith.andi %get3A_246, %and3A_251 : vector<16xi32>
    tpu.vector_store_idx %arg10[%shift_right_logical3A_249, %and3A_252], %broadcast_in_dim3A_5 {add = true} : memref<64x128xf32, #tpu.memory_space<vmem>>[vector<16xi32>, vector<16xi32>], vector<16xf32>,
    %get3A_253 = arith.constant 3 : i32
    %get3A_254 = arith.index_cast %get3A_253 : i32 to index
    %get3A_255 = arith.constant 16 : index
    %get3A_256 = tpu.vector_load %arg8[%get3A_254, %get3A_255] {strides = array<i32>} : memref<4x128xi32, #tpu.memory_space<vmem>>, vector<16xi32>,
    %shift_right_logical3A_257 = arith.constant 7 : i32
    %shift_right_logical3A_258 = vector.broadcast %shift_right_logical3A_257 : i32 to vector<16xi32>
    %shift_right_logical3A_259 = arith.shrui %get3A_256, %shift_right_logical3A_258 : vector<16xi32>
    %and3A_260 = arith.constant 127 : i32
    %and3A_261 = vector.broadcast %and3A_260 : i32 to vector<16xi32>
    %and3A_262 = arith.andi %get3A_256, %and3A_261 : vector<16xi32>
    tpu.vector_store_idx %arg10[%shift_right_logical3A_259, %and3A_262], %broadcast_in_dim3A_5 {add = true} : memref<64x128xf32, #tpu.memory_space<vmem>>[vector<16xi32>, vector<16xi32>], vector<16xf32>,
    %get3A_263 = arith.constant 3 : i32
    %get3A_264 = arith.index_cast %get3A_263 : i32 to index
    %get3A_265 = arith.constant 32 : index
    %get3A_266 = tpu.vector_load %arg8[%get3A_264, %get3A_265] {strides = array<i32>} : memref<4x128xi32, #tpu.memory_space<vmem>>, vector<16xi32>,
    %shift_right_logical3A_267 = arith.constant 7 : i32
    %shift_right_logical3A_268 = vector.broadcast %shift_right_logical3A_267 : i32 to vector<16xi32>
    %shift_right_logical3A_269 = arith.shrui %get3A_266, %shift_right_logical3A_268 : vector<16xi32>
    %and3A_270 = arith.constant 127 : i32
    %and3A_271 = vector.broadcast %and3A_270 : i32 to vector<16xi32>
    %and3A_272 = arith.andi %get3A_266, %and3A_271 : vector<16xi32>
    tpu.vector_store_idx %arg10[%shift_right_logical3A_269, %and3A_272], %broadcast_in_dim3A_5 {add = true} : memref<64x128xf32, #tpu.memory_space<vmem>>[vector<16xi32>, vector<16xi32>], vector<16xf32>,
    %get3A_273 = arith.constant 3 : i32
    %get3A_274 = arith.index_cast %get3A_273 : i32 to index
    %get3A_275 = arith.constant 48 : index
    %get3A_276 = tpu.vector_load %arg8[%get3A_274, %get3A_275] {strides = array<i32>} : memref<4x128xi32, #tpu.memory_space<vmem>>, vector<16xi32>,
    %shift_right_logical3A_277 = arith.constant 7 : i32
    %shift_right_logical3A_278 = vector.broadcast %shift_right_logical3A_277 : i32 to vector<16xi32>
    %shift_right_logical3A_279 = arith.shrui %get3A_276, %shift_right_logical3A_278 : vector<16xi32>
    %and3A_280 = arith.constant 127 : i32
    %and3A_281 = vector.broadcast %and3A_280 : i32 to vector<16xi32>
    %and3A_282 = arith.andi %get3A_276, %and3A_281 : vector<16xi32>
    tpu.vector_store_idx %arg10[%shift_right_logical3A_279, %and3A_282], %broadcast_in_dim3A_5 {add = true} : memref<64x128xf32, #tpu.memory_space<vmem>>[vector<16xi32>, vector<16xi32>], vector<16xf32>,
    %get3A_283 = arith.constant 3 : i32
    %get3A_284 = arith.index_cast %get3A_283 : i32 to index
    %get3A_285 = arith.constant 64 : index
    %get3A_286 = tpu.vector_load %arg8[%get3A_284, %get3A_285] {strides = array<i32>} : memref<4x128xi32, #tpu.memory_space<vmem>>, vector<16xi32>,
    %shift_right_logical3A_287 = arith.constant 7 : i32
    %shift_right_logical3A_288 = vector.broadcast %shift_right_logical3A_287 : i32 to vector<16xi32>
    %shift_right_logical3A_289 = arith.shrui %get3A_286, %shift_right_logical3A_288 : vector<16xi32>
    %and3A_290 = arith.constant 127 : i32
    %and3A_291 = vector.broadcast %and3A_290 : i32 to vector<16xi32>
    %and3A_292 = arith.andi %get3A_286, %and3A_291 : vector<16xi32>
    tpu.vector_store_idx %arg10[%shift_right_logical3A_289, %and3A_292], %broadcast_in_dim3A_5 {add = true} : memref<64x128xf32, #tpu.memory_space<vmem>>[vector<16xi32>, vector<16xi32>], vector<16xf32>,
    %get3A_293 = arith.constant 3 : i32
    %get3A_294 = arith.index_cast %get3A_293 : i32 to index
    %get3A_295 = arith.constant 80 : index
    %get3A_296 = tpu.vector_load %arg8[%get3A_294, %get3A_295] {strides = array<i32>} : memref<4x128xi32, #tpu.memory_space<vmem>>, vector<16xi32>,
    %shift_right_logical3A_297 = arith.constant 7 : i32
    %shift_right_logical3A_298 = vector.broadcast %shift_right_logical3A_297 : i32 to vector<16xi32>
    %shift_right_logical3A_299 = arith.shrui %get3A_296, %shift_right_logical3A_298 : vector<16xi32>
    %and3A_300 = arith.constant 127 : i32
    %and3A_301 = vector.broadcast %and3A_300 : i32 to vector<16xi32>
    %and3A_302 = arith.andi %get3A_296, %and3A_301 : vector<16xi32>
    tpu.vector_store_idx %arg10[%shift_right_logical3A_299, %and3A_302], %broadcast_in_dim3A_5 {add = true} : memref<64x128xf32, #tpu.memory_space<vmem>>[vector<16xi32>, vector<16xi32>], vector<16xf32>,
    %get3A_303 = arith.constant 3 : i32
    %get3A_304 = arith.index_cast %get3A_303 : i32 to index
    %get3A_305 = arith.constant 96 : index
    %get3A_306 = tpu.vector_load %arg8[%get3A_304, %get3A_305] {strides = array<i32>} : memref<4x128xi32, #tpu.memory_space<vmem>>, vector<16xi32>,
    %shift_right_logical3A_307 = arith.constant 7 : i32
    %shift_right_logical3A_308 = vector.broadcast %shift_right_logical3A_307 : i32 to vector<16xi32>
    %shift_right_logical3A_309 = arith.shrui %get3A_306, %shift_right_logical3A_308 : vector<16xi32>
    %and3A_310 = arith.constant 127 : i32
    %and3A_311 = vector.broadcast %and3A_310 : i32 to vector<16xi32>
    %and3A_312 = arith.andi %get3A_306, %and3A_311 : vector<16xi32>
    tpu.vector_store_idx %arg10[%shift_right_logical3A_309, %and3A_312], %broadcast_in_dim3A_5 {add = true} : memref<64x128xf32, #tpu.memory_space<vmem>>[vector<16xi32>, vector<16xi32>], vector<16xf32>,
    %get3A_313 = arith.constant 3 : i32
    %get3A_314 = arith.index_cast %get3A_313 : i32 to index
    %get3A_315 = arith.constant 112 : index
    %get3A_316 = tpu.vector_load %arg8[%get3A_314, %get3A_315] {strides = array<i32>} : memref<4x128xi32, #tpu.memory_space<vmem>>, vector<16xi32>,
    %shift_right_logical3A_317 = arith.constant 7 : i32
    %shift_right_logical3A_318 = vector.broadcast %shift_right_logical3A_317 : i32 to vector<16xi32>
    %shift_right_logical3A_319 = arith.shrui %get3A_316, %shift_right_logical3A_318 : vector<16xi32>
    %and3A_320 = arith.constant 127 : i32
    %and3A_321 = vector.broadcast %and3A_320 : i32 to vector<16xi32>
    %and3A_322 = arith.andi %get3A_316, %and3A_321 : vector<16xi32>
    tpu.vector_store_idx %arg10[%shift_right_logical3A_319, %and3A_322], %broadcast_in_dim3A_5 {add = true} : memref<64x128xf32, #tpu.memory_space<vmem>>[vector<16xi32>, vector<16xi32>], vector<16xf32>,
    %barrier3A = arith.constant 0 : index
    tpu.barrier barrier_id(%barrier3A)
    %mul3A_323 = arith.constant 8192 : i32
    %mul3A_324 = arith.muli %arg0, %mul3A_323 : i32
    %add3A = arith.addi %mul3A_324, %mul3A_0 : i32
    %add3A_325 = arith.constant 0 : i32
    %add3A_326 = arith.addi %add3A, %add3A_325 : i32
    "tpu.region"() ({
      %run_scoped3A_359 = tpu.sem_alloc : memref<!tpu.dma_semaphore, #tpu.memory_space<semaphore_mem>>
      %dma_start3A = arith.constant 0 : i32
      %dma_start3A_360 = tpu.memref_slice %arg2[%add3A_326, %dma_start3A] : memref<16384x128xf32, #tpu.memory_space<hbm>> -> memref<128x128xf32, #tpu.memory_space<hbm>>
      %dma_start3A_361 = arith.constant 0 : i32
      %dma_start3A_362 = tpu.memref_slice %arg2[%add3A_326, %dma_start3A_361] : memref<16384x128xf32, #tpu.memory_space<hbm>> -> memref<128x128xf32, #tpu.memory_space<hbm>>
      tpu.enqueue_dma source(%dma_start3A_362 : memref<128x128xf32, #tpu.memory_space<hbm>>) target(%arg9 : memref<128x128xf32, #tpu.memory_space<vmem>>) target_semaphore(%run_scoped3A_359 : memref<!tpu.dma_semaphore, #tpu.memory_space<semaphore_mem>>)
      %dma_wait3A = arith.constant 0 : i32
      %dma_wait3A_363 = tpu.memref_slice %arg2[%add3A_326, %dma_wait3A] : memref<16384x128xf32, #tpu.memory_space<hbm>> -> memref<128x128xf32, #tpu.memory_space<hbm>>
      %dma_wait3A_364 = arith.constant 0 : i32
      %dma_wait3A_365 = tpu.memref_slice %arg2[%add3A_326, %dma_wait3A_364] : memref<16384x128xf32, #tpu.memory_space<hbm>> -> memref<128x128xf32, #tpu.memory_space<hbm>>
      tpu.wait_dma2 semaphore(%run_scoped3A_359 : memref<!tpu.dma_semaphore, #tpu.memory_space<semaphore_mem>>) src(%dma_wait3A_365 : memref<128x128xf32, #tpu.memory_space<hbm>>) dst(%arg9 : memref<128x128xf32, #tpu.memory_space<vmem>>)
      tpu.yield
    }) : () -> ()
    %run_scoped3A = arith.constant 0 : i32
    "tpu.region"() ({
      %run_scoped3A_359 = tpu.sem_alloc : memref<!tpu.dma_semaphore, #tpu.memory_space<semaphore_mem>>
      %dma_start3A = arith.constant 0 : i32
      %dma_start3A_360 = tpu.memref_slice %arg8[%run_scoped3A, %dma_start3A] : memref<4x128xi32, #tpu.memory_space<vmem>> -> memref<1x128xi32, #tpu.memory_space<vmem>>
      %dma_start3A_361 = tpu.memref_squeeze %dma_start3A_360 : memref<1x128xi32, #tpu.memory_space<vmem>> -> memref<128xi32, #tpu.memory_space<vmem>>
      %dma_start3A_362 = arith.constant 0 : i32
      %dma_start3A_363 = arith.constant 0 : i32
      %dma_start3A_364 = tpu.memref_slice %arg12[%dma_start3A_362, %dma_start3A_363] : memref<8192x128xf32, #tpu.memory_space<vmem_shared>> -> memref<8192x128xf32, #tpu.memory_space<vmem_shared>>
      tpu.enqueue_indirect_dma source(%arg9 : memref<128x128xf32, #tpu.memory_space<vmem>>) target(%dma_start3A_364 : memref<8192x128xf32, #tpu.memory_space<vmem_shared>>) offsets(%dma_start3A_361 : memref<128xi32, #tpu.memory_space<vmem>>) semaphore(%run_scoped3A_359 : memref<!tpu.dma_semaphore, #tpu.memory_space<semaphore_mem>>) {add = true}
      %dma_wait3A = arith.constant 0 : i32
      %dma_wait3A_365 = tpu.memref_slice %arg8[%run_scoped3A, %dma_wait3A] : memref<4x128xi32, #tpu.memory_space<vmem>> -> memref<1x128xi32, #tpu.memory_space<vmem>>
      %dma_wait3A_366 = tpu.memref_squeeze %dma_wait3A_365 : memref<1x128xi32, #tpu.memory_space<vmem>> -> memref<128xi32, #tpu.memory_space<vmem>>
      %dma_wait3A_367 = arith.constant 0 : i32
      %dma_wait3A_368 = arith.constant 0 : i32
      %dma_wait3A_369 = tpu.memref_slice %arg12[%dma_wait3A_367, %dma_wait3A_368] : memref<8192x128xf32, #tpu.memory_space<vmem_shared>> -> memref<8192x128xf32, #tpu.memory_space<vmem_shared>>
      tpu.wait_indirect_dma semaphore(%run_scoped3A_359 : memref<!tpu.dma_semaphore, #tpu.memory_space<semaphore_mem>>) src(%arg9 : memref<128x128xf32, #tpu.memory_space<vmem>>) dst(%dma_wait3A_369 : memref<8192x128xf32, #tpu.memory_space<vmem_shared>>)
      tpu.yield
    }) : () -> ()
    %mul3A_327 = arith.constant 8192 : i32
    %mul3A_328 = arith.muli %arg0, %mul3A_327 : i32
    %add3A_329 = arith.addi %mul3A_328, %mul3A_0 : i32
    %add3A_330 = arith.constant 128 : i32
    %add3A_331 = arith.addi %add3A_329, %add3A_330 : i32
    "tpu.region"() ({
      %run_scoped3A_359 = tpu.sem_alloc : memref<!tpu.dma_semaphore, #tpu.memory_space<semaphore_mem>>
      %dma_start3A = arith.constant 0 : i32
      %dma_start3A_360 = tpu.memref_slice %arg2[%add3A_331, %dma_start3A] : memref<16384x128xf32, #tpu.memory_space<hbm>> -> memref<128x128xf32, #tpu.memory_space<hbm>>
      %dma_start3A_361 = arith.constant 0 : i32
      %dma_start3A_362 = tpu.memref_slice %arg2[%add3A_331, %dma_start3A_361] : memref<16384x128xf32, #tpu.memory_space<hbm>> -> memref<128x128xf32, #tpu.memory_space<hbm>>
      tpu.enqueue_dma source(%dma_start3A_362 : memref<128x128xf32, #tpu.memory_space<hbm>>) target(%arg9 : memref<128x128xf32, #tpu.memory_space<vmem>>) target_semaphore(%run_scoped3A_359 : memref<!tpu.dma_semaphore, #tpu.memory_space<semaphore_mem>>)
      %dma_wait3A = arith.constant 0 : i32
      %dma_wait3A_363 = tpu.memref_slice %arg2[%add3A_331, %dma_wait3A] : memref<16384x128xf32, #tpu.memory_space<hbm>> -> memref<128x128xf32, #tpu.memory_space<hbm>>
      %dma_wait3A_364 = arith.constant 0 : i32
      %dma_wait3A_365 = tpu.memref_slice %arg2[%add3A_331, %dma_wait3A_364] : memref<16384x128xf32, #tpu.memory_space<hbm>> -> memref<128x128xf32, #tpu.memory_space<hbm>>
      tpu.wait_dma2 semaphore(%run_scoped3A_359 : memref<!tpu.dma_semaphore, #tpu.memory_space<semaphore_mem>>) src(%dma_wait3A_365 : memref<128x128xf32, #tpu.memory_space<hbm>>) dst(%arg9 : memref<128x128xf32, #tpu.memory_space<vmem>>)
      tpu.yield
    }) : () -> ()
    %run_scoped3A_332 = arith.constant 1 : i32
    "tpu.region"() ({
      %run_scoped3A_359 = tpu.sem_alloc : memref<!tpu.dma_semaphore, #tpu.memory_space<semaphore_mem>>
      %dma_start3A = arith.constant 0 : i32
      %dma_start3A_360 = tpu.memref_slice %arg8[%run_scoped3A_332, %dma_start3A] : memref<4x128xi32, #tpu.memory_space<vmem>> -> memref<1x128xi32, #tpu.memory_space<vmem>>
      %dma_start3A_361 = tpu.memref_squeeze %dma_start3A_360 : memref<1x128xi32, #tpu.memory_space<vmem>> -> memref<128xi32, #tpu.memory_space<vmem>>
      %dma_start3A_362 = arith.constant 0 : i32
      %dma_start3A_363 = arith.constant 0 : i32
      %dma_start3A_364 = tpu.memref_slice %arg12[%dma_start3A_362, %dma_start3A_363] : memref<8192x128xf32, #tpu.memory_space<vmem_shared>> -> memref<8192x128xf32, #tpu.memory_space<vmem_shared>>
      tpu.enqueue_indirect_dma source(%arg9 : memref<128x128xf32, #tpu.memory_space<vmem>>) target(%dma_start3A_364 : memref<8192x128xf32, #tpu.memory_space<vmem_shared>>) offsets(%dma_start3A_361 : memref<128xi32, #tpu.memory_space<vmem>>) semaphore(%run_scoped3A_359 : memref<!tpu.dma_semaphore, #tpu.memory_space<semaphore_mem>>) {add = true}
      %dma_wait3A = arith.constant 0 : i32
      %dma_wait3A_365 = tpu.memref_slice %arg8[%run_scoped3A_332, %dma_wait3A] : memref<4x128xi32, #tpu.memory_space<vmem>> -> memref<1x128xi32, #tpu.memory_space<vmem>>
      %dma_wait3A_366 = tpu.memref_squeeze %dma_wait3A_365 : memref<1x128xi32, #tpu.memory_space<vmem>> -> memref<128xi32, #tpu.memory_space<vmem>>
      %dma_wait3A_367 = arith.constant 0 : i32
      %dma_wait3A_368 = arith.constant 0 : i32
      %dma_wait3A_369 = tpu.memref_slice %arg12[%dma_wait3A_367, %dma_wait3A_368] : memref<8192x128xf32, #tpu.memory_space<vmem_shared>> -> memref<8192x128xf32, #tpu.memory_space<vmem_shared>>
      tpu.wait_indirect_dma semaphore(%run_scoped3A_359 : memref<!tpu.dma_semaphore, #tpu.memory_space<semaphore_mem>>) src(%arg9 : memref<128x128xf32, #tpu.memory_space<vmem>>) dst(%dma_wait3A_369 : memref<8192x128xf32, #tpu.memory_space<vmem_shared>>)
      tpu.yield
    }) : () -> ()
    %mul3A_333 = arith.constant 8192 : i32
    %mul3A_334 = arith.muli %arg0, %mul3A_333 : i32
    %add3A_335 = arith.addi %mul3A_334, %mul3A_0 : i32
    %add3A_336 = arith.constant 256 : i32
    %add3A_337 = arith.addi %add3A_335, %add3A_336 : i32
    "tpu.region"() ({
      %run_scoped3A_359 = tpu.sem_alloc : memref<!tpu.dma_semaphore, #tpu.memory_space<semaphore_mem>>
      %dma_start3A = arith.constant 0 : i32
      %dma_start3A_360 = tpu.memref_slice %arg2[%add3A_337, %dma_start3A] : memref<16384x128xf32, #tpu.memory_space<hbm>> -> memref<128x128xf32, #tpu.memory_space<hbm>>
      %dma_start3A_361 = arith.constant 0 : i32
      %dma_start3A_362 = tpu.memref_slice %arg2[%add3A_337, %dma_start3A_361] : memref<16384x128xf32, #tpu.memory_space<hbm>> -> memref<128x128xf32, #tpu.memory_space<hbm>>
      tpu.enqueue_dma source(%dma_start3A_362 : memref<128x128xf32, #tpu.memory_space<hbm>>) target(%arg9 : memref<128x128xf32, #tpu.memory_space<vmem>>) target_semaphore(%run_scoped3A_359 : memref<!tpu.dma_semaphore, #tpu.memory_space<semaphore_mem>>)
      %dma_wait3A = arith.constant 0 : i32
      %dma_wait3A_363 = tpu.memref_slice %arg2[%add3A_337, %dma_wait3A] : memref<16384x128xf32, #tpu.memory_space<hbm>> -> memref<128x128xf32, #tpu.memory_space<hbm>>
      %dma_wait3A_364 = arith.constant 0 : i32
      %dma_wait3A_365 = tpu.memref_slice %arg2[%add3A_337, %dma_wait3A_364] : memref<16384x128xf32, #tpu.memory_space<hbm>> -> memref<128x128xf32, #tpu.memory_space<hbm>>
      tpu.wait_dma2 semaphore(%run_scoped3A_359 : memref<!tpu.dma_semaphore, #tpu.memory_space<semaphore_mem>>) src(%dma_wait3A_365 : memref<128x128xf32, #tpu.memory_space<hbm>>) dst(%arg9 : memref<128x128xf32, #tpu.memory_space<vmem>>)
      tpu.yield
    }) : () -> ()
    %run_scoped3A_338 = arith.constant 2 : i32
    "tpu.region"() ({
      %run_scoped3A_359 = tpu.sem_alloc : memref<!tpu.dma_semaphore, #tpu.memory_space<semaphore_mem>>
      %dma_start3A = arith.constant 0 : i32
      %dma_start3A_360 = tpu.memref_slice %arg8[%run_scoped3A_338, %dma_start3A] : memref<4x128xi32, #tpu.memory_space<vmem>> -> memref<1x128xi32, #tpu.memory_space<vmem>>
      %dma_start3A_361 = tpu.memref_squeeze %dma_start3A_360 : memref<1x128xi32, #tpu.memory_space<vmem>> -> memref<128xi32, #tpu.memory_space<vmem>>
      %dma_start3A_362 = arith.constant 0 : i32
      %dma_start3A_363 = arith.constant 0 : i32
      %dma_start3A_364 = tpu.memref_slice %arg12[%dma_start3A_362, %dma_start3A_363] : memref<8192x128xf32, #tpu.memory_space<vmem_shared>> -> memref<8192x128xf32, #tpu.memory_space<vmem_shared>>
      tpu.enqueue_indirect_dma source(%arg9 : memref<128x128xf32, #tpu.memory_space<vmem>>) target(%dma_start3A_364 : memref<8192x128xf32, #tpu.memory_space<vmem_shared>>) offsets(%dma_start3A_361 : memref<128xi32, #tpu.memory_space<vmem>>) semaphore(%run_scoped3A_359 : memref<!tpu.dma_semaphore, #tpu.memory_space<semaphore_mem>>) {add = true}
      %dma_wait3A = arith.constant 0 : i32
      %dma_wait3A_365 = tpu.memref_slice %arg8[%run_scoped3A_338, %dma_wait3A] : memref<4x128xi32, #tpu.memory_space<vmem>> -> memref<1x128xi32, #tpu.memory_space<vmem>>
      %dma_wait3A_366 = tpu.memref_squeeze %dma_wait3A_365 : memref<1x128xi32, #tpu.memory_space<vmem>> -> memref<128xi32, #tpu.memory_space<vmem>>
      %dma_wait3A_367 = arith.constant 0 : i32
      %dma_wait3A_368 = arith.constant 0 : i32
      %dma_wait3A_369 = tpu.memref_slice %arg12[%dma_wait3A_367, %dma_wait3A_368] : memref<8192x128xf32, #tpu.memory_space<vmem_shared>> -> memref<8192x128xf32, #tpu.memory_space<vmem_shared>>
      tpu.wait_indirect_dma semaphore(%run_scoped3A_359 : memref<!tpu.dma_semaphore, #tpu.memory_space<semaphore_mem>>) src(%arg9 : memref<128x128xf32, #tpu.memory_space<vmem>>) dst(%dma_wait3A_369 : memref<8192x128xf32, #tpu.memory_space<vmem_shared>>)
      tpu.yield
    }) : () -> ()
    %mul3A_339 = arith.constant 8192 : i32
    %mul3A_340 = arith.muli %arg0, %mul3A_339 : i32
    %add3A_341 = arith.addi %mul3A_340, %mul3A_0 : i32
    %add3A_342 = arith.constant 384 : i32
    %add3A_343 = arith.addi %add3A_341, %add3A_342 : i32
    "tpu.region"() ({
      %run_scoped3A_359 = tpu.sem_alloc : memref<!tpu.dma_semaphore, #tpu.memory_space<semaphore_mem>>
      %dma_start3A = arith.constant 0 : i32
      %dma_start3A_360 = tpu.memref_slice %arg2[%add3A_343, %dma_start3A] : memref<16384x128xf32, #tpu.memory_space<hbm>> -> memref<128x128xf32, #tpu.memory_space<hbm>>
      %dma_start3A_361 = arith.constant 0 : i32
      %dma_start3A_362 = tpu.memref_slice %arg2[%add3A_343, %dma_start3A_361] : memref<16384x128xf32, #tpu.memory_space<hbm>> -> memref<128x128xf32, #tpu.memory_space<hbm>>
      tpu.enqueue_dma source(%dma_start3A_362 : memref<128x128xf32, #tpu.memory_space<hbm>>) target(%arg9 : memref<128x128xf32, #tpu.memory_space<vmem>>) target_semaphore(%run_scoped3A_359 : memref<!tpu.dma_semaphore, #tpu.memory_space<semaphore_mem>>)
      %dma_wait3A = arith.constant 0 : i32
      %dma_wait3A_363 = tpu.memref_slice %arg2[%add3A_343, %dma_wait3A] : memref<16384x128xf32, #tpu.memory_space<hbm>> -> memref<128x128xf32, #tpu.memory_space<hbm>>
      %dma_wait3A_364 = arith.constant 0 : i32
      %dma_wait3A_365 = tpu.memref_slice %arg2[%add3A_343, %dma_wait3A_364] : memref<16384x128xf32, #tpu.memory_space<hbm>> -> memref<128x128xf32, #tpu.memory_space<hbm>>
      tpu.wait_dma2 semaphore(%run_scoped3A_359 : memref<!tpu.dma_semaphore, #tpu.memory_space<semaphore_mem>>) src(%dma_wait3A_365 : memref<128x128xf32, #tpu.memory_space<hbm>>) dst(%arg9 : memref<128x128xf32, #tpu.memory_space<vmem>>)
      tpu.yield
    }) : () -> ()
    %run_scoped3A_344 = arith.constant 3 : i32
    "tpu.region"() ({
      %run_scoped3A_359 = tpu.sem_alloc : memref<!tpu.dma_semaphore, #tpu.memory_space<semaphore_mem>>
      %dma_start3A = arith.constant 0 : i32
      %dma_start3A_360 = tpu.memref_slice %arg8[%run_scoped3A_344, %dma_start3A] : memref<4x128xi32, #tpu.memory_space<vmem>> -> memref<1x128xi32, #tpu.memory_space<vmem>>
      %dma_start3A_361 = tpu.memref_squeeze %dma_start3A_360 : memref<1x128xi32, #tpu.memory_space<vmem>> -> memref<128xi32, #tpu.memory_space<vmem>>
      %dma_start3A_362 = arith.constant 0 : i32
      %dma_start3A_363 = arith.constant 0 : i32
      %dma_start3A_364 = tpu.memref_slice %arg12[%dma_start3A_362, %dma_start3A_363] : memref<8192x128xf32, #tpu.memory_space<vmem_shared>> -> memref<8192x128xf32, #tpu.memory_space<vmem_shared>>
      tpu.enqueue_indirect_dma source(%arg9 : memref<128x128xf32, #tpu.memory_space<vmem>>) target(%dma_start3A_364 : memref<8192x128xf32, #tpu.memory_space<vmem_shared>>) offsets(%dma_start3A_361 : memref<128xi32, #tpu.memory_space<vmem>>) semaphore(%run_scoped3A_359 : memref<!tpu.dma_semaphore, #tpu.memory_space<semaphore_mem>>) {add = true}
      %dma_wait3A = arith.constant 0 : i32
      %dma_wait3A_365 = tpu.memref_slice %arg8[%run_scoped3A_344, %dma_wait3A] : memref<4x128xi32, #tpu.memory_space<vmem>> -> memref<1x128xi32, #tpu.memory_space<vmem>>
      %dma_wait3A_366 = tpu.memref_squeeze %dma_wait3A_365 : memref<1x128xi32, #tpu.memory_space<vmem>> -> memref<128xi32, #tpu.memory_space<vmem>>
      %dma_wait3A_367 = arith.constant 0 : i32
      %dma_wait3A_368 = arith.constant 0 : i32
      %dma_wait3A_369 = tpu.memref_slice %arg12[%dma_wait3A_367, %dma_wait3A_368] : memref<8192x128xf32, #tpu.memory_space<vmem_shared>> -> memref<8192x128xf32, #tpu.memory_space<vmem_shared>>
      tpu.wait_indirect_dma semaphore(%run_scoped3A_359 : memref<!tpu.dma_semaphore, #tpu.memory_space<semaphore_mem>>) src(%arg9 : memref<128x128xf32, #tpu.memory_space<vmem>>) dst(%dma_wait3A_369 : memref<8192x128xf32, #tpu.memory_space<vmem_shared>>)
      tpu.yield
    }) : () -> ()
    "tpu.region"() ({
      %run_scoped3A_359 = tpu.sem_alloc : memref<!tpu.dma_semaphore, #tpu.memory_space<semaphore_mem>>
      %dma_start3A = arith.constant 0 : i32
      %dma_start3A_360 = arith.constant 0 : i32
      %dma_start3A_361 = tpu.memref_slice %arg13[%dma_start3A, %dma_start3A_360] : memref<64x128xf32, #tpu.memory_space<vmem_shared>> -> memref<64x128xf32, #tpu.memory_space<vmem_shared>>
      tpu.enqueue_indirect_dma source(%arg10 : memref<64x128xf32, #tpu.memory_space<vmem>>) target(%dma_start3A_361 : memref<64x128xf32, #tpu.memory_space<vmem_shared>>) offsets(%arg11 : memref<64xi32, #tpu.memory_space<vmem>>) semaphore(%run_scoped3A_359 : memref<!tpu.dma_semaphore, #tpu.memory_space<semaphore_mem>>) {add = true}
      %dma_wait3A = arith.constant 0 : i32
      %dma_wait3A_362 = arith.constant 0 : i32
      %dma_wait3A_363 = tpu.memref_slice %arg13[%dma_wait3A, %dma_wait3A_362] : memref<64x128xf32, #tpu.memory_space<vmem_shared>> -> memref<64x128xf32, #tpu.memory_space<vmem_shared>>
      tpu.wait_indirect_dma semaphore(%run_scoped3A_359 : memref<!tpu.dma_semaphore, #tpu.memory_space<semaphore_mem>>) src(%arg10 : memref<64x128xf32, #tpu.memory_space<vmem>>) dst(%dma_wait3A_363 : memref<64x128xf32, #tpu.memory_space<vmem_shared>>)
      tpu.yield
    }) : () -> ()
    %barrier3A_345 = arith.constant 0 : index
    tpu.barrier barrier_id(%barrier3A_345)
    %mul3A_346 = arith.constant 8192 : i32
    %mul3A_347 = arith.muli %arg0, %mul3A_346 : i32
    %add3A_348 = arith.addi %mul3A_347, %mul3A_0 : i32
    "tpu.region"() ({
      %run_scoped3A_359 = tpu.sem_alloc : memref<!tpu.dma_semaphore, #tpu.memory_space<semaphore_mem>>
      %dma_start3A = arith.constant 0 : i32
      %dma_start3A_360 = tpu.memref_slice %arg6[%add3A_348, %dma_start3A] : memref<16384x128xf32, #tpu.memory_space<hbm>> -> memref<512x128xf32, #tpu.memory_space<hbm>>
      %dma_start3A_361 = arith.constant 0 : i32
      %dma_start3A_362 = tpu.memref_slice %arg12[%mul3A_0, %dma_start3A_361] : memref<8192x128xf32, #tpu.memory_space<vmem_shared>> -> memref<512x128xf32, #tpu.memory_space<vmem_shared>>
      tpu.enqueue_dma source(%dma_start3A_362 : memref<512x128xf32, #tpu.memory_space<vmem_shared>>) target(%dma_start3A_360 : memref<512x128xf32, #tpu.memory_space<hbm>>) target_semaphore(%run_scoped3A_359 : memref<!tpu.dma_semaphore, #tpu.memory_space<semaphore_mem>>)
      %dma_wait3A = arith.constant 0 : i32
      %dma_wait3A_363 = tpu.memref_slice %arg6[%add3A_348, %dma_wait3A] : memref<16384x128xf32, #tpu.memory_space<hbm>> -> memref<512x128xf32, #tpu.memory_space<hbm>>
      %dma_wait3A_364 = arith.constant 0 : i32
      %dma_wait3A_365 = tpu.memref_slice %arg12[%mul3A_0, %dma_wait3A_364] : memref<8192x128xf32, #tpu.memory_space<vmem_shared>> -> memref<512x128xf32, #tpu.memory_space<vmem_shared>>
      tpu.wait_dma2 semaphore(%run_scoped3A_359 : memref<!tpu.dma_semaphore, #tpu.memory_space<semaphore_mem>>) src(%dma_wait3A_365 : memref<512x128xf32, #tpu.memory_space<vmem_shared>>) dst(%dma_wait3A_363 : memref<512x128xf32, #tpu.memory_space<hbm>>)
      tpu.yield
    }) : () -> ()
    %mul3A_349 = arith.constant 32 : i32
    %mul3A_350 = arith.muli %arg0, %mul3A_349 : i32
    %mul3A_351 = arith.constant 2 : i32
    %mul3A_352 = arith.muli %arg1, %mul3A_351 : i32
    %add3A_353 = arith.addi %mul3A_350, %mul3A_352 : i32
    %mul3A_354 = arith.constant 32 : i32
    %mul3A_355 = arith.muli %arg0, %mul3A_354 : i32
    %mul3A_356 = arith.constant 2 : i32
    %mul3A_357 = arith.muli %arg1, %mul3A_356 : i32
    %add3A_358 = arith.addi %mul3A_355, %mul3A_357 : i32
    "tpu.region"() ({
      %run_scoped3A_359 = tpu.sem_alloc : memref<!tpu.dma_semaphore, #tpu.memory_space<semaphore_mem>>
      %dma_start3A = arith.constant 0 : i32
      %dma_start3A_360 = tpu.memref_slice %arg7[%add3A_358, %dma_start3A] : memref<64x128xf32, #tpu.memory_space<hbm>> -> memref<2x128xf32, #tpu.memory_space<hbm>>
      %dma_start3A_361 = arith.constant 0 : i32
      %dma_start3A_362 = tpu.memref_slice %arg13[%add3A_353, %dma_start3A_361] : memref<64x128xf32, #tpu.memory_space<vmem_shared>> -> memref<2x128xf32, #tpu.memory_space<vmem_shared>>
      tpu.enqueue_dma source(%dma_start3A_362 : memref<2x128xf32, #tpu.memory_space<vmem_shared>>) target(%dma_start3A_360 : memref<2x128xf32, #tpu.memory_space<hbm>>) target_semaphore(%run_scoped3A_359 : memref<!tpu.dma_semaphore, #tpu.memory_space<semaphore_mem>>)
      %dma_wait3A = arith.constant 0 : i32
      %dma_wait3A_363 = tpu.memref_slice %arg7[%add3A_358, %dma_wait3A] : memref<64x128xf32, #tpu.memory_space<hbm>> -> memref<2x128xf32, #tpu.memory_space<hbm>>
      %dma_wait3A_364 = arith.constant 0 : i32
      %dma_wait3A_365 = tpu.memref_slice %arg13[%add3A_353, %dma_wait3A_364] : memref<64x128xf32, #tpu.memory_space<vmem_shared>> -> memref<2x128xf32, #tpu.memory_space<vmem_shared>>
      tpu.wait_dma2 semaphore(%run_scoped3A_359 : memref<!tpu.dma_semaphore, #tpu.memory_space<semaphore_mem>>) src(%dma_wait3A_365 : memref<2x128xf32, #tpu.memory_space<vmem_shared>>) dst(%dma_wait3A_363 : memref<2x128xf32, #tpu.memory_space<hbm>>)
      tpu.yield
    }) : () -> ()
    return
  }
}

#map = affine_map<(d0, d1) -> (0, 0)>
module attributes {stable_mosaic.version = 14 : i64} {
  func.func @_gather_body(%arg0: i32, %arg1: i32, %arg2: memref<8192x256xf32, #tpu.memory_space<hbm>>, %arg3: memref<64x128xi32, #tpu.memory_space<hbm>>, %arg4: memref<8192x256xf32, #tpu.memory_space<hbm>>, %arg5: memref<2x128xi32, #tpu.memory_space<vmem>>, %arg6: memref<256x256xf32, #tpu.memory_space<vmem>>, %arg7: memref<!tpu.dma_semaphore, #tpu.memory_space<semaphore_mem>>) attributes {dimension_semantics = [#tpu.dimension_semantics<core_parallel>, #tpu.dimension_semantics<subcore_parallel>], iteration_bounds = array<i64: 2, 16>, scalar_prefetch = 0 : i64, scratch_operands = 3 : i64, tpu.core_type = #tpu.core_type<sc_vector_subcore>, window_params = [{transform_indices = #map}, {transform_indices = #map}, {transform_indices = #map}]} {
    %mul3A = arith.constant 2 : i32
    %mul3A_0 = arith.muli %arg1, %mul3A : i32
    %add3A = arith.addi %mul3A_0, %arg0 : i32
    %mul3A_1 = arith.constant 2 : i32
    %mul3A_2 = arith.muli %add3A, %mul3A_1 : i32
    "tpu.region"() ({
      %run_scoped3A = tpu.sem_alloc : memref<!tpu.dma_semaphore, #tpu.memory_space<semaphore_mem>>
      %dma_start3A_43 = arith.constant 0 : i32
      %dma_start3A_44 = tpu.memref_slice %arg3[%mul3A_2, %dma_start3A_43] : memref<64x128xi32, #tpu.memory_space<hbm>> -> memref<2x128xi32, #tpu.memory_space<hbm>>
      %dma_start3A_45 = arith.constant 0 : i32
      %dma_start3A_46 = tpu.memref_slice %arg3[%mul3A_2, %dma_start3A_45] : memref<64x128xi32, #tpu.memory_space<hbm>> -> memref<2x128xi32, #tpu.memory_space<hbm>>
      tpu.enqueue_dma source(%dma_start3A_46 : memref<2x128xi32, #tpu.memory_space<hbm>>) target(%arg5 : memref<2x128xi32, #tpu.memory_space<vmem>>) target_semaphore(%run_scoped3A : memref<!tpu.dma_semaphore, #tpu.memory_space<semaphore_mem>>)
      %dma_wait3A_47 = arith.constant 0 : i32
      %dma_wait3A_48 = tpu.memref_slice %arg3[%mul3A_2, %dma_wait3A_47] : memref<64x128xi32, #tpu.memory_space<hbm>> -> memref<2x128xi32, #tpu.memory_space<hbm>>
      %dma_wait3A_49 = arith.constant 0 : i32
      %dma_wait3A_50 = tpu.memref_slice %arg3[%mul3A_2, %dma_wait3A_49] : memref<64x128xi32, #tpu.memory_space<hbm>> -> memref<2x128xi32, #tpu.memory_space<hbm>>
      tpu.wait_dma2 semaphore(%run_scoped3A : memref<!tpu.dma_semaphore, #tpu.memory_space<semaphore_mem>>) src(%dma_wait3A_50 : memref<2x128xi32, #tpu.memory_space<hbm>>) dst(%arg5 : memref<2x128xi32, #tpu.memory_space<vmem>>)
      tpu.yield
    }) : () -> ()
    %dma_start3A = arith.constant 0 : i32
    %dma_start3A_3 = arith.constant 0 : i32
    %dma_start3A_4 = arith.constant 0 : i32
    %dma_start3A_5 = tpu.memref_slice %arg6[%dma_start3A_3, %dma_start3A_4] : memref<256x256xf32, #tpu.memory_space<vmem>> -> memref<128x256xf32, #tpu.memory_space<vmem>>
    %dma_start3A_6 = arith.constant 0 : i32
    %dma_start3A_7 = tpu.memref_slice %arg5[%dma_start3A, %dma_start3A_6] : memref<2x128xi32, #tpu.memory_space<vmem>> -> memref<1x128xi32, #tpu.memory_space<vmem>>
    %dma_start3A_8 = tpu.memref_squeeze %dma_start3A_7 : memref<1x128xi32, #tpu.memory_space<vmem>> -> memref<128xi32, #tpu.memory_space<vmem>>
    %dma_start3A_9 = arith.constant 0 : i32
    %dma_start3A_10 = arith.constant 0 : i32
    %dma_start3A_11 = tpu.memref_slice %arg2[%dma_start3A_9, %dma_start3A_10] : memref<8192x256xf32, #tpu.memory_space<hbm>> -> memref<8192x256xf32, #tpu.memory_space<hbm>>
    tpu.enqueue_indirect_dma source(%dma_start3A_11 : memref<8192x256xf32, #tpu.memory_space<hbm>>) target(%dma_start3A_5 : memref<128x256xf32, #tpu.memory_space<vmem>>) offsets(%dma_start3A_8 : memref<128xi32, #tpu.memory_space<vmem>>) semaphore(%arg7 : memref<!tpu.dma_semaphore, #tpu.memory_space<semaphore_mem>>)
    %dma_wait3A = arith.constant 0 : i32
    %dma_wait3A_12 = arith.constant 0 : i32
    %dma_wait3A_13 = arith.constant 0 : i32
    %dma_wait3A_14 = tpu.memref_slice %arg6[%dma_wait3A_12, %dma_wait3A_13] : memref<256x256xf32, #tpu.memory_space<vmem>> -> memref<128x256xf32, #tpu.memory_space<vmem>>
    %dma_wait3A_15 = arith.constant 0 : i32
    %dma_wait3A_16 = tpu.memref_slice %arg5[%dma_wait3A, %dma_wait3A_15] : memref<2x128xi32, #tpu.memory_space<vmem>> -> memref<1x128xi32, #tpu.memory_space<vmem>>
    %dma_wait3A_17 = tpu.memref_squeeze %dma_wait3A_16 : memref<1x128xi32, #tpu.memory_space<vmem>> -> memref<128xi32, #tpu.memory_space<vmem>>
    %dma_wait3A_18 = arith.constant 0 : i32
    %dma_wait3A_19 = arith.constant 0 : i32
    %dma_wait3A_20 = tpu.memref_slice %arg2[%dma_wait3A_18, %dma_wait3A_19] : memref<8192x256xf32, #tpu.memory_space<hbm>> -> memref<8192x256xf32, #tpu.memory_space<hbm>>
    tpu.wait_indirect_dma semaphore(%arg7 : memref<!tpu.dma_semaphore, #tpu.memory_space<semaphore_mem>>) src(%dma_wait3A_20 : memref<8192x256xf32, #tpu.memory_space<hbm>>) dst(%dma_wait3A_14 : memref<128x256xf32, #tpu.memory_space<vmem>>)
    %dma_start3A_21 = arith.constant 1 : i32
    %dma_start3A_22 = arith.constant 128 : i32
    %dma_start3A_23 = arith.constant 0 : i32
    %dma_start3A_24 = tpu.memref_slice %arg6[%dma_start3A_22, %dma_start3A_23] : memref<256x256xf32, #tpu.memory_space<vmem>> -> memref<128x256xf32, #tpu.memory_space<vmem>>
    %dma_start3A_25 = arith.constant 0 : i32
    %dma_start3A_26 = tpu.memref_slice %arg5[%dma_start3A_21, %dma_start3A_25] : memref<2x128xi32, #tpu.memory_space<vmem>> -> memref<1x128xi32, #tpu.memory_space<vmem>>
    %dma_start3A_27 = tpu.memref_squeeze %dma_start3A_26 : memref<1x128xi32, #tpu.memory_space<vmem>> -> memref<128xi32, #tpu.memory_space<vmem>>
    %dma_start3A_28 = arith.constant 0 : i32
    %dma_start3A_29 = arith.constant 0 : i32
    %dma_start3A_30 = tpu.memref_slice %arg2[%dma_start3A_28, %dma_start3A_29] : memref<8192x256xf32, #tpu.memory_space<hbm>> -> memref<8192x256xf32, #tpu.memory_space<hbm>>
    tpu.enqueue_indirect_dma source(%dma_start3A_30 : memref<8192x256xf32, #tpu.memory_space<hbm>>) target(%dma_start3A_24 : memref<128x256xf32, #tpu.memory_space<vmem>>) offsets(%dma_start3A_27 : memref<128xi32, #tpu.memory_space<vmem>>) semaphore(%arg7 : memref<!tpu.dma_semaphore, #tpu.memory_space<semaphore_mem>>)
    %dma_wait3A_31 = arith.constant 1 : i32
    %dma_wait3A_32 = arith.constant 128 : i32
    %dma_wait3A_33 = arith.constant 0 : i32
    %dma_wait3A_34 = tpu.memref_slice %arg6[%dma_wait3A_32, %dma_wait3A_33] : memref<256x256xf32, #tpu.memory_space<vmem>> -> memref<128x256xf32, #tpu.memory_space<vmem>>
    %dma_wait3A_35 = arith.constant 0 : i32
    %dma_wait3A_36 = tpu.memref_slice %arg5[%dma_wait3A_31, %dma_wait3A_35] : memref<2x128xi32, #tpu.memory_space<vmem>> -> memref<1x128xi32, #tpu.memory_space<vmem>>
    %dma_wait3A_37 = tpu.memref_squeeze %dma_wait3A_36 : memref<1x128xi32, #tpu.memory_space<vmem>> -> memref<128xi32, #tpu.memory_space<vmem>>
    %dma_wait3A_38 = arith.constant 0 : i32
    %dma_wait3A_39 = arith.constant 0 : i32
    %dma_wait3A_40 = tpu.memref_slice %arg2[%dma_wait3A_38, %dma_wait3A_39] : memref<8192x256xf32, #tpu.memory_space<hbm>> -> memref<8192x256xf32, #tpu.memory_space<hbm>>
    tpu.wait_indirect_dma semaphore(%arg7 : memref<!tpu.dma_semaphore, #tpu.memory_space<semaphore_mem>>) src(%dma_wait3A_40 : memref<8192x256xf32, #tpu.memory_space<hbm>>) dst(%dma_wait3A_34 : memref<128x256xf32, #tpu.memory_space<vmem>>)
    %mul3A_41 = arith.constant 256 : i32
    %mul3A_42 = arith.muli %add3A, %mul3A_41 : i32
    "tpu.region"() ({
      %run_scoped3A = tpu.sem_alloc : memref<!tpu.dma_semaphore, #tpu.memory_space<semaphore_mem>>
      %dma_start3A_43 = arith.constant 0 : i32
      %dma_start3A_44 = tpu.memref_slice %arg4[%mul3A_42, %dma_start3A_43] : memref<8192x256xf32, #tpu.memory_space<hbm>> -> memref<256x256xf32, #tpu.memory_space<hbm>>
      %dma_start3A_45 = arith.constant 0 : i32
      %dma_start3A_46 = tpu.memref_slice %arg4[%mul3A_42, %dma_start3A_45] : memref<8192x256xf32, #tpu.memory_space<hbm>> -> memref<256x256xf32, #tpu.memory_space<hbm>>
      tpu.enqueue_dma source(%arg6 : memref<256x256xf32, #tpu.memory_space<vmem>>) target(%dma_start3A_46 : memref<256x256xf32, #tpu.memory_space<hbm>>) target_semaphore(%run_scoped3A : memref<!tpu.dma_semaphore, #tpu.memory_space<semaphore_mem>>)
      %dma_wait3A_47 = arith.constant 0 : i32
      %dma_wait3A_48 = tpu.memref_slice %arg4[%mul3A_42, %dma_wait3A_47] : memref<8192x256xf32, #tpu.memory_space<hbm>> -> memref<256x256xf32, #tpu.memory_space<hbm>>
      %dma_wait3A_49 = arith.constant 0 : i32
      %dma_wait3A_50 = tpu.memref_slice %arg4[%mul3A_42, %dma_wait3A_49] : memref<8192x256xf32, #tpu.memory_space<hbm>> -> memref<256x256xf32, #tpu.memory_space<hbm>>
      tpu.wait_dma2 semaphore(%run_scoped3A : memref<!tpu.dma_semaphore, #tpu.memory_space<semaphore_mem>>) src(%arg6 : memref<256x256xf32, #tpu.memory_space<vmem>>) dst(%dma_wait3A_50 : memref<256x256xf32, #tpu.memory_space<hbm>>)
      tpu.yield
    }) : () -> ()
    return
  }
}

module attributes {stable_mosaic.version = 14 : i64} {
  func.func @_argmin_body(%arg0: i32, %arg1: i32, %arg2: memref<2048x1xf32, #tpu.memory_space<vmem>>, %arg3: memref<1x2048xf32, #tpu.memory_space<vmem>>, %arg4: memref<2048x256xf32, #tpu.memory_space<vmem>>, %arg5: memref<2048x256xf32, #tpu.memory_space<vmem>>, %arg6: memref<2048x1xi32, #tpu.memory_space<vmem>>, %arg7: memref<2048x1xf32, #tpu.memory_space<vmem>>, %arg8: memref<2048x1xi32, #tpu.memory_space<vmem>>) attributes {dimension_semantics = [#tpu.dimension_semantics<arbitrary>, #tpu.dimension_semantics<arbitrary>], iteration_bounds = array<i64: 4, 4>, scalar_prefetch = 0 : i64, scratch_operands = 2 : i64, tpu.core_type = #tpu.core_type<tc>, window_params = [{transform_indices = @transform_0, window_bounds = array<i64: 2048, 1>}, {transform_indices = @transform_1, window_bounds = array<i64: 1, 2048>}, {transform_indices = @transform_2, window_bounds = array<i64: 2048, 256>}, {transform_indices = @transform_3, window_bounds = array<i64: 2048, 256>}, {transform_indices = @transform_4, window_bounds = array<i64: 2048, 1>}]} {
    %eq3A = arith.constant 0 : i32
    %eq3A_0 = arith.cmpi eq, %arg1, %eq3A : i32
    %convert_element_type3A = arith.extui %eq3A_0 : i1 to i32
    %cond3A = arith.constant 0 : i32
    %cond3A_1 = arith.cmpi ne, %convert_element_type3A, %cond3A : i32
    scf.if %cond3A_1 {
      %broadcast_in_dim3A_50 = arith.constant 0x7F800000 : f32
      %broadcast_in_dim3A_51 = vector.broadcast %broadcast_in_dim3A_50 : f32 to vector<2048x1xf32>
      %swap3A_52 = arith.constant 0 : index
      %swap3A_53 = arith.constant 0 : index
      %swap3A_54 = vector.load %arg7[%swap3A_52, %swap3A_53] : memref<2048x1xf32, #tpu.memory_space<vmem>>, vector<2048x1xf32>
      tpu.vector_store %arg7[%swap3A_52, %swap3A_53], %broadcast_in_dim3A_51 {strides = array<i32>} : memref<2048x1xf32, #tpu.memory_space<vmem>>, vector<2048x1xf32>,
      %broadcast_in_dim3A_55 = arith.constant 0 : i32
      %broadcast_in_dim3A_56 = vector.broadcast %broadcast_in_dim3A_55 : i32 to vector<2048x1xi32>
      %swap3A_57 = arith.constant 0 : index
      %swap3A_58 = arith.constant 0 : index
      %swap3A_59 = vector.load %arg8[%swap3A_57, %swap3A_58] : memref<2048x1xi32, #tpu.memory_space<vmem>>, vector<2048x1xi32>
      tpu.vector_store %arg8[%swap3A_57, %swap3A_58], %broadcast_in_dim3A_56 {strides = array<i32>} : memref<2048x1xi32, #tpu.memory_space<vmem>>, vector<2048x1xi32>,
    } else {
    }
    %get3A = arith.constant 0 : index
    %get3A_2 = arith.constant 0 : index
    %get3A_3 = vector.load %arg4[%get3A, %get3A_2] : memref<2048x256xf32, #tpu.memory_space<vmem>>, vector<2048x256xf32>
    %get3A_4 = arith.constant 0 : index
    %get3A_5 = arith.constant 0 : index
    %get3A_6 = vector.load %arg5[%get3A_4, %get3A_5] : memref<2048x256xf32, #tpu.memory_space<vmem>>, vector<2048x256xf32>
    %dot_general3A = arith.constant dense<0.000000e+00> : vector<2048x2048xf32>
    %dot_general3A_7 = tpu.matmul %get3A_3, %get3A_6, %dot_general3A {dimension_numbers = #tpu.dot_dimension_numbers<[1], [1], [0], [0], [0, 0, 1, 0], [], []>, transpose_lhs_hint = false} : vector<2048x256xf32>, vector<2048x256xf32>, vector<2048x2048xf32> -> vector<2048x2048xf32>
    %get3A_8 = arith.constant 0 : index
    %get3A_9 = arith.constant 0 : index
    %get3A_10 = vector.load %arg2[%get3A_8, %get3A_9] : memref<2048x1xf32, #tpu.memory_space<vmem>>, vector<2048x1xf32>
    %get3A_11 = arith.constant 0 : index
    %get3A_12 = arith.constant 0 : index
    %get3A_13 = vector.load %arg3[%get3A_11, %get3A_12] : memref<1x2048xf32, #tpu.memory_space<vmem>>, vector<1x2048xf32>
    %add3A = vector.broadcast %get3A_10 : vector<2048x1xf32> to vector<2048x2048xf32>
    %add3A_14 = vector.broadcast %get3A_13 : vector<1x2048xf32> to vector<2048x2048xf32>
    %add3A_15 = arith.addf %add3A, %add3A_14 : vector<2048x2048xf32>
    %mul3A = arith.constant 2.000000e+00 : f32
    %mul3A_16 = vector.broadcast %mul3A : f32 to vector<2048x2048xf32>
    %mul3A_17 = arith.mulf %mul3A_16, %dot_general3A_7 : vector<2048x2048xf32>
    %sub3A = arith.subf %add3A_15, %mul3A_17 : vector<2048x2048xf32>
    %reduce_min3A = arith.constant dense<0x7F800000> : vector<2048xf32>
    %reduce_min3A_18 = vector.multi_reduction <minimumf>, %sub3A, %reduce_min3A [1] : vector<2048x2048xf32> to vector<2048xf32>
    %broadcast_in_dim3A = vector.shape_cast %reduce_min3A_18 : vector<2048xf32> to vector<2048x1xf32>
    %iota3A = tpu.iota {dimensions = array<i32: 1>} : vector<2048x2048xi32>
    %eq3A_19 = vector.broadcast %broadcast_in_dim3A : vector<2048x1xf32> to vector<2048x2048xf32>
    %eq3A_20 = arith.cmpf oeq, %sub3A, %eq3A_19 : vector<2048x2048xf32>
    %jit3A = arith.constant 2048 : i32
    %broadcast_in_dim3A_21 = vector.broadcast %jit3A : i32 to vector<2048x2048xi32>
    %select_n3A = arith.select %eq3A_20, %iota3A, %broadcast_in_dim3A_21 : vector<2048x2048xi1>, vector<2048x2048xi32>
    %reduce_min3A_22 = arith.constant dense<2147483647> : vector<2048xi32>
    %reduce_min3A_23 = vector.multi_reduction <minsi>, %select_n3A, %reduce_min3A_22 [1] : vector<2048x2048xi32> to vector<2048xi32>
    %broadcast_in_dim3A_24 = vector.shape_cast %reduce_min3A_23 : vector<2048xi32> to vector<2048x1xi32>
    %mul3A_25 = arith.constant 2048 : i32
    %mul3A_26 = arith.muli %arg1, %mul3A_25 : i32
    %add3A_27 = vector.broadcast %mul3A_26 : i32 to vector<2048x1xi32>
    %add3A_28 = arith.addi %broadcast_in_dim3A_24, %add3A_27 : vector<2048x1xi32>
    %get3A_29 = arith.constant 0 : index
    %get3A_30 = arith.constant 0 : index
    %get3A_31 = vector.load %arg7[%get3A_29, %get3A_30] : memref<2048x1xf32, #tpu.memory_space<vmem>>, vector<2048x1xf32>
    %lt3A = arith.cmpf olt, %broadcast_in_dim3A, %get3A_31 : vector<2048x1xf32>
    %get3A_32 = arith.constant 0 : index
    %get3A_33 = arith.constant 0 : index
    %get3A_34 = vector.load %arg8[%get3A_32, %get3A_33] : memref<2048x1xi32, #tpu.memory_space<vmem>>, vector<2048x1xi32>
    %select_n3A_35 = arith.select %lt3A, %add3A_28, %get3A_34 : vector<2048x1xi1>, vector<2048x1xi32>
    %swap3A = arith.constant 0 : index
    %swap3A_36 = arith.constant 0 : index
    %swap3A_37 = vector.load %arg8[%swap3A, %swap3A_36] : memref<2048x1xi32, #tpu.memory_space<vmem>>, vector<2048x1xi32>
    tpu.vector_store %arg8[%swap3A, %swap3A_36], %select_n3A_35 {strides = array<i32>} : memref<2048x1xi32, #tpu.memory_space<vmem>>, vector<2048x1xi32>,
    %get3A_38 = arith.constant 0 : index
    %get3A_39 = arith.constant 0 : index
    %get3A_40 = vector.load %arg7[%get3A_38, %get3A_39] : memref<2048x1xf32, #tpu.memory_space<vmem>>, vector<2048x1xf32>
    %select_n3A_41 = arith.select %lt3A, %broadcast_in_dim3A, %get3A_40 : vector<2048x1xi1>, vector<2048x1xf32>
    %swap3A_42 = arith.constant 0 : index
    %swap3A_43 = arith.constant 0 : index
    %swap3A_44 = vector.load %arg7[%swap3A_42, %swap3A_43] : memref<2048x1xf32, #tpu.memory_space<vmem>>, vector<2048x1xf32>
    tpu.vector_store %arg7[%swap3A_42, %swap3A_43], %select_n3A_41 {strides = array<i32>} : memref<2048x1xf32, #tpu.memory_space<vmem>>, vector<2048x1xf32>,
    %eq3A_45 = arith.constant 3 : i32
    %eq3A_46 = arith.cmpi eq, %arg1, %eq3A_45 : i32
    %convert_element_type3A_47 = arith.extui %eq3A_46 : i1 to i32
    %cond3A_48 = arith.constant 0 : i32
    %cond3A_49 = arith.cmpi ne, %convert_element_type3A_47, %cond3A_48 : i32
    scf.if %cond3A_49 {
      %get3A_50 = arith.constant 0 : index
      %get3A_51 = arith.constant 0 : index
      %get3A_52 = vector.load %arg8[%get3A_50, %get3A_51] : memref<2048x1xi32, #tpu.memory_space<vmem>>, vector<2048x1xi32>
      %swap3A_53 = arith.constant 0 : index
      %swap3A_54 = arith.constant 0 : index
      %swap3A_55 = vector.load %arg6[%swap3A_53, %swap3A_54] : memref<2048x1xi32, #tpu.memory_space<vmem>>, vector<2048x1xi32>
      tpu.vector_store %arg6[%swap3A_53, %swap3A_54], %get3A_52 {strides = array<i32>} : memref<2048x1xi32, #tpu.memory_space<vmem>>, vector<2048x1xi32>,
    } else {
    }
    return
  }
  func.func @transform_0(%arg0: i32, %arg1: i32) -> (i32, i32) {
    %c0_i32 = arith.constant 0 : i32
    %c0_i32_0 = arith.constant 0 : i32
    return %arg0, %c0_i32 : i32, i32
  }
  func.func @transform_1(%arg0: i32, %arg1: i32) -> (i32, i32) {
    %c0_i32 = arith.constant 0 : i32
    %c0_i32_0 = arith.constant 0 : i32
    return %c0_i32, %arg1 : i32, i32
  }
  func.func @transform_2(%arg0: i32, %arg1: i32) -> (i32, i32) {
    %c0_i32 = arith.constant 0 : i32
    %c0_i32_0 = arith.constant 0 : i32
    return %arg0, %c0_i32 : i32, i32
  }
  func.func @transform_3(%arg0: i32, %arg1: i32) -> (i32, i32) {
    %c0_i32 = arith.constant 0 : i32
    %c0_i32_0 = arith.constant 0 : i32
    return %arg1, %c0_i32 : i32, i32
  }
  func.func @transform_4(%arg0: i32, %arg1: i32) -> (i32, i32) {
    %c0_i32 = arith.constant 0 : i32
    %c0_i32_0 = arith.constant 0 : i32
    return %arg0, %c0_i32 : i32, i32
  }
}

module attributes {stable_mosaic.version = 14 : i64} {
  func.func @_wnew_body(%arg0: i32, %arg1: memref<8192x1xf32, #tpu.memory_space<vmem>>, %arg2: memref<8192x1xf32, #tpu.memory_space<vmem>>, %arg3: memref<512x128xf32, #tpu.memory_space<vmem>>, %arg4: memref<512x128xf32, #tpu.memory_space<vmem>>, %arg5: memref<512x256xf32, #tpu.memory_space<vmem>>, %arg6: memref<512x256xf32, #tpu.memory_space<vmem>>, %arg7: memref<8192x1xf32, #tpu.memory_space<vmem>>) attributes {dimension_semantics = [#tpu.dimension_semantics<arbitrary>], iteration_bounds = array<i64: 16>, scalar_prefetch = 0 : i64, scratch_operands = 1 : i64, tpu.core_type = #tpu.core_type<tc>, window_params = [{pipeline_mode = #tpu.pipeline_mode<synchronous>, transform_indices = @transform_0, window_bounds = array<i64: 8192, 1>}, {pipeline_mode = #tpu.pipeline_mode<synchronous>, transform_indices = @transform_1, window_bounds = array<i64: 8192, 1>}, {transform_indices = @transform_2, window_bounds = array<i64: 512, 128>}, {transform_indices = @transform_3, window_bounds = array<i64: 512, 128>}, {transform_indices = @transform_4, window_bounds = array<i64: 512, 256>}, {transform_indices = @transform_5, window_bounds = array<i64: 512, 256>}]} {
    %eq3A = arith.constant 0 : i32
    %eq3A_0 = arith.cmpi eq, %arg0, %eq3A : i32
    %convert_element_type3A = arith.extui %eq3A_0 : i1 to i32
    %cond3A = arith.constant 0 : i32
    %cond3A_1 = arith.cmpi ne, %convert_element_type3A, %cond3A : i32
    scf.if %cond3A_1 {
      %get3A_23 = arith.constant 0 : index
      %get3A_24 = arith.constant 0 : index
      %get3A_25 = vector.load %arg2[%get3A_23, %get3A_24] : memref<8192x1xf32, #tpu.memory_space<vmem>>, vector<8192x1xf32>
      %mul3A_26 = arith.constant 9.900000e-01 : f32
      %mul3A_27 = vector.broadcast %mul3A_26 : f32 to vector<8192x1xf32>
      %mul3A_28 = arith.mulf %get3A_25, %mul3A_27 : vector<8192x1xf32>
      %get3A_29 = arith.constant 0 : index
      %get3A_30 = arith.constant 0 : index
      %get3A_31 = vector.load %arg1[%get3A_29, %get3A_30] : memref<8192x1xf32, #tpu.memory_space<vmem>>, vector<8192x1xf32>
      %mul3A_32 = arith.constant 0.00999999977 : f32
      %mul3A_33 = vector.broadcast %mul3A_32 : f32 to vector<8192x1xf32>
      %mul3A_34 = arith.mulf %get3A_31, %mul3A_33 : vector<8192x1xf32>
      %add3A_35 = arith.addf %mul3A_28, %mul3A_34 : vector<8192x1xf32>
      %reduce_sum3A = vector.shape_cast %add3A_35 : vector<8192x1xf32> to vector<1x8192x1xf32>
      %reduce_sum3A_36 = arith.constant dense<0.000000e+00> : vector<1xf32>
      %reduce_sum3A_37 = vector.multi_reduction <add>, %reduce_sum3A, %reduce_sum3A_36 [1, 2] : vector<1x8192x1xf32> to vector<1xf32>
      %reduce_sum3A_38 = vector.shape_cast %reduce_sum3A_37 : vector<1xf32> to vector<1x1x1xf32>
      %reduce_sum3A_39 = vector.extract %reduce_sum3A_38[0, 0, 0] : f32 from vector<1x1x1xf32>
      %add3A_40 = arith.constant 9.99999974E-6 : f32
      %add3A_41 = vector.broadcast %add3A_40 : f32 to vector<8192x1xf32>
      %add3A_42 = arith.addf %add3A_35, %add3A_41 : vector<8192x1xf32>
      %add3A_43 = arith.constant 0.0819199979 : f32
      %add3A_44 = arith.addf %reduce_sum3A_39, %add3A_43 : f32
      %div3A_45 = vector.broadcast %add3A_44 : f32 to vector<8192x1xf32>
      %div3A_46 = arith.divf %add3A_42, %div3A_45 : vector<8192x1xf32>
      %mul3A_47 = vector.broadcast %reduce_sum3A_39 : f32 to vector<8192x1xf32>
      %mul3A_48 = arith.mulf %div3A_46, %mul3A_47 : vector<8192x1xf32>
      %swap3A_49 = arith.constant 0 : index
      %swap3A_50 = arith.constant 0 : index
      %swap3A_51 = vector.load %arg7[%swap3A_49, %swap3A_50] : memref<8192x1xf32, #tpu.memory_space<vmem>>, vector<8192x1xf32>
      tpu.vector_store %arg7[%swap3A_49, %swap3A_50], %mul3A_48 {strides = array<i32>} : memref<8192x1xf32, #tpu.memory_space<vmem>>, vector<8192x1xf32>,
    } else {
    }
    %get3A = arith.constant 0 : index
    %get3A_2 = arith.constant 0 : index
    %get3A_3 = vector.load %arg3[%get3A, %get3A_2] : memref<512x128xf32, #tpu.memory_space<vmem>>, vector<512x128xf32>
    %get3A_4 = arith.constant 0 : index
    %get3A_5 = arith.constant 0 : index
    %get3A_6 = vector.load %arg4[%get3A_4, %get3A_5] : memref<512x128xf32, #tpu.memory_space<vmem>>, vector<512x128xf32>
    %concatenate3A = tpu.concatenate %get3A_3, %get3A_6 in 1 : vector<512x128xf32>, vector<512x128xf32> -> vector<512x256xf32>
    %get3A_7 = arith.constant 0 : index
    %get3A_8 = arith.constant 0 : index
    %get3A_9 = vector.load %arg5[%get3A_7, %get3A_8] : memref<512x256xf32, #tpu.memory_space<vmem>>, vector<512x256xf32>
    %mul3A = arith.constant 9.900000e-01 : f32
    %mul3A_10 = vector.broadcast %mul3A : f32 to vector<512x256xf32>
    %mul3A_11 = arith.mulf %get3A_9, %mul3A_10 : vector<512x256xf32>
    %mul3A_12 = arith.constant 0.00999999977 : f32
    %mul3A_13 = vector.broadcast %mul3A_12 : f32 to vector<512x256xf32>
    %mul3A_14 = arith.mulf %concatenate3A, %mul3A_13 : vector<512x256xf32>
    %add3A = arith.addf %mul3A_11, %mul3A_14 : vector<512x256xf32>
    %mul3A_15 = arith.constant 512 : i32
    %mul3A_16 = arith.muli %arg0, %mul3A_15 : i32
    %get3A_17 = arith.index_cast %mul3A_16 : i32 to index
    %get3A_18 = arith.constant 0 : index
    %get3A_19 = vector.load %arg7[%get3A_17, %get3A_18] : memref<8192x1xf32, #tpu.memory_space<vmem>>, vector<512x1xf32>
    %div3A = vector.broadcast %get3A_19 : vector<512x1xf32> to vector<512x256xf32>
    %div3A_20 = arith.divf %add3A, %div3A : vector<512x256xf32>
    %swap3A = arith.constant 0 : index
    %swap3A_21 = arith.constant 0 : index
    %swap3A_22 = vector.load %arg6[%swap3A, %swap3A_21] : memref<512x256xf32, #tpu.memory_space<vmem>>, vector<512x256xf32>
    tpu.vector_store %arg6[%swap3A, %swap3A_21], %div3A_20 {strides = array<i32>} : memref<512x256xf32, #tpu.memory_space<vmem>>, vector<512x256xf32>,
    return
  }
  func.func @transform_0(%arg0: i32) -> (i32, i32) {
    %c0_i32 = arith.constant 0 : i32
    %c0_i32_0 = arith.constant 0 : i32
    %c0_i32_1 = arith.constant 0 : i32
    return %c0_i32, %c0_i32_0 : i32, i32
  }
  func.func @transform_1(%arg0: i32) -> (i32, i32) {
    %c0_i32 = arith.constant 0 : i32
    %c0_i32_0 = arith.constant 0 : i32
    %c0_i32_1 = arith.constant 0 : i32
    return %c0_i32, %c0_i32_0 : i32, i32
  }
  func.func @transform_2(%arg0: i32) -> (i32, i32) {
    %c0_i32 = arith.constant 0 : i32
    %c0_i32_0 = arith.constant 0 : i32
    return %arg0, %c0_i32 : i32, i32
  }
  func.func @transform_3(%arg0: i32) -> (i32, i32) {
    %add3A = arith.constant 16 : i32
    %add3A_0 = arith.addi %add3A, %arg0 : i32
    %c0_i32 = arith.constant 0 : i32
    %c0_i32_1 = arith.constant 0 : i32
    return %add3A_0, %c0_i32 : i32, i32
  }
  func.func @transform_4(%arg0: i32) -> (i32, i32) {
    %c0_i32 = arith.constant 0 : i32
    %c0_i32_0 = arith.constant 0 : i32
    return %arg0, %c0_i32 : i32, i32
  }
  func.func @transform_5(%arg0: i32) -> (i32, i32) {
    %c0_i32 = arith.constant 0 : i32
    %c0_i32_0 = arith.constant 0 : i32
    return %arg0, %c0_i32 : i32, i32
  }
}

module attributes {stable_mosaic.version = 14 : i64} {
  func.func @_loss_body(%arg0: memref<8192x256xf32, #tpu.memory_space<vmem>>, %arg1: memref<8192x256xf32, #tpu.memory_space<vmem>>, %arg2: memref<8192x256xf32, #tpu.memory_space<vmem>>, %arg3: memref<1x1xf32, #tpu.memory_space<smem>>) attributes {dimension_semantics = [], scalar_prefetch = 0 : i64, scratch_operands = 0 : i64, tpu.core_type = #tpu.core_type<tc>} {
    %get3A = arith.constant 0 : index
    %get3A_0 = arith.constant 0 : index
    %get3A_1 = vector.load %arg0[%get3A, %get3A_0] : memref<8192x256xf32, #tpu.memory_space<vmem>>, vector<8192x256xf32>
    %get3A_2 = arith.constant 0 : index
    %get3A_3 = arith.constant 0 : index
    %get3A_4 = vector.load %arg1[%get3A_2, %get3A_3] : memref<8192x256xf32, #tpu.memory_space<vmem>>, vector<8192x256xf32>
    %sub3A = arith.subf %get3A_1, %get3A_4 : vector<8192x256xf32>
    %add3A = arith.addf %get3A_4, %sub3A : vector<8192x256xf32>
    %swap3A = arith.constant 0 : index
    %swap3A_5 = arith.constant 0 : index
    %swap3A_6 = vector.load %arg2[%swap3A, %swap3A_5] : memref<8192x256xf32, #tpu.memory_space<vmem>>, vector<8192x256xf32>
    tpu.vector_store %arg2[%swap3A, %swap3A_5], %add3A {strides = array<i32>} : memref<8192x256xf32, #tpu.memory_space<vmem>>, vector<8192x256xf32>,
    %mul3A = arith.mulf %sub3A, %sub3A : vector<8192x256xf32>
    %reduce_sum3A = vector.shape_cast %mul3A : vector<8192x256xf32> to vector<1x8192x256xf32>
    %reduce_sum3A_7 = arith.constant dense<0.000000e+00> : vector<1xf32>
    %reduce_sum3A_8 = vector.multi_reduction <add>, %reduce_sum3A, %reduce_sum3A_7 [1, 2] : vector<1x8192x256xf32> to vector<1xf32>
    %reduce_sum3A_9 = vector.shape_cast %reduce_sum3A_8 : vector<1xf32> to vector<1x1x1xf32>
    %reduce_sum3A_10 = vector.extract %reduce_sum3A_9[0, 0, 0] : f32 from vector<1x1x1xf32>
    %mul3A_11 = arith.constant 1.1920929E-7 : f32
    %mul3A_12 = arith.mulf %reduce_sum3A_10, %mul3A_11 : f32
    %swap3A_13 = arith.constant 0 : index
    %swap3A_14 = arith.constant 0 : index
    %swap3A_15 = memref.load %arg3[%swap3A_13, %swap3A_14] : memref<1x1xf32, #tpu.memory_space<smem>>
    memref.store %mul3A_12, %arg3[%swap3A_13, %swap3A_14] : memref<1x1xf32, #tpu.memory_space<smem>>
    return
  }
}

</mosaic_0001>

<sc_bundles>
// kernel: kernel.10.cloned.1.call-start
scs
__scs_entry_jumppad:
0x0: {  	(pc) =	sbr.rel $0x88, $3  }
0x1: {  	(tag) =	ssettag $0x0;
	lr =	simm.s32 $0x1  }
0x2: {  	[smem:$0x3F9D] =	sst lr;
	_ =	strace $0xD0000000  }
0x3: {  	_ = 	snop  }
0x4: {  	_ = 	snop  }
0x5: {  	_ = 	snop  }
0x6: {  	_ = 	snop  }
0x7: {  	_ = 	snop  }
__scs_overlays_trampoline_lowered:
0x8: {  	[smem:$0x3FAC] =	sst s0  }
0x9: {  	[smem:$0x3FAD] =	sst s1  }
0xa: {  	[smem:$0x3FAE] =	sst s2  }
0xb: {  	[smem:$0x3FAF] =	sst s3  }
0xc: {  	[smem:$0x3FB0] =	sst s4  }
0xd: {  	[smem:$0x3FB1] =	sst s5  }
0xe: {  	[smem:$0x3FB2] =	sst s6  }
0xf: {  	[smem:$0x3FB3] =	sst s7  }
0x10: {  	[smem:$0x3FB4] =	sst s8  }
0x11: {  	[smem:$0x3FB5] =	sst s9;
	s0 =	simm.s32 @!p0 $0x0  }
0x12: {  	s1 =	sld [smem:$0x3F9B];
	s0 =	simm.s32 @p0 $0x1  }
0x13: {  	[smem:$0x3FB6] =	sst s0;
	s0 =	simm.s32 @!p1 $0x0  }
0x14: {  	s2 =	sld [smem:$0x3F9A];
	s0 =	simm.s32 @p1 $0x1  }
0x15: {  	[smem:$0x3FB7] =	sst s0;
	s0 =	simm.s32 @!p2 $0x0  }
0x16: {  	s3 =	sld [smem:$0x3FDB];
	s0 =	simm.s32 @p2 $0x1  }
0x17: {  	s4 =	simm.s32 $0x1BF5;
	[smem:$0x3FB9] =	sst s0  }
0x18: {  	s0 =	sld [smem:$0x3F9C];
	_ =	swait.ge [sflag:s4], $0x0  }
0x19: {  	s7 =	sld [smem:$0x3F9D]  }
0x1a: {  	s8 =	sadd.s32 $0xFFFFE003, lr  }
0x1b: {  	s9 =	sadd.s32 $0xFFFFFEF7, lr;
	s5 =	simm.s32 $0xFFFFFFFF;
	p2 =	slt.u32 s8, $0xFFFFF086  }
0x1c: {  	p1 =	slt.u32 s9, $0xF7A;
	s5 =	simm.s32 @!p2 $0x0  }
0x1d: {  	s5 =	simm.s32 @p1 $0x1;
	p0 =	seq.s32 s7, s2  }
0x1e: {  	s7 =	smul.u32 @!p0 $0xF7A, s2;
	p2 =	seq.s32 @!p0 s5, $0x0  }
0x1f: {  	s9 =	smul.u32 $0xF7A, s1;
	s8 =	simm.s32 @!p0 $0x1BF5;
	p2 =	por !p2, p0  }
0x20: {  	[sflag:s8] =	ssyncset.s32 @!p0 $0xFFFFF086;
	s6 =	sadd.s32 @!p0 s3, s7;
	s7 =	simm.s32 @!p0 $0x108  }
0x21: {  	s3 =	sadd.s32 s3, s9;
	s6 =	sadd.s32 @!p0 $0x88, s6;
	s7 =	simm.s32 @p2 $0x1082  }
0x22: {  	[simem:s7], [sflag:s8] =	dma.local @!p0 [hbm:s6], $0xF7A  }
0x23: {  	s9 =	sor.u32 $0xD0000000, s2;
	s6 =	simm.s32 $0x108;
	_ =	swait.ge @!p0 [sflag:s8], $0x0  }
0x24: {  	s3 =	sadd.s32 $0x88, s3;
	s6 =	simm.s32 @!p1 $0x1082;
	[sflag:s4] =	ssyncset.s32 $0xFFFFF086  }
0x25: {  	[simem:s6], [sflag:s4] =	dma.local [hbm:s3], $0xF7A  }
0x26: {  	[smem:$0x3F9D] =	sst s1;
	(tag) =	ssettag s2;
	_ =	strace s9  }
0x27: {  	s1 =	sld [smem:$0x3FAD]  }
0x28: {  	s2 =	sld [smem:$0x3FAE]  }
0x29: {  	s4 =	sld [smem:$0x3FB0]  }
0x2a: {  	p0 =	seq.s32 s5, $0x0;
	s5 =	sld [smem:$0x3FB1]  }
0x2b: {  	s6 =	sld [smem:$0x3FB2]  }
0x2c: {  	s7 =	sld [smem:$0x3FB3]  }
0x2d: {  	s3 =	simm.s32 $0x108;
	s8 =	sld [smem:$0x3FB4]  }
0x2e: {  	s3 =	simm.s32 @!p0 $0x1082;
	s9 =	sld [smem:$0x3FB5]  }
0x2f: {  	lr =	sadd.s32 s0, s3;
	s0 =	sld [smem:$0x3FAC]  }
0x30: {  	s3 =	sld [smem:$0x3FAF]  }
0x31: {  	[smem:$0x3FB8] =	sst s10  }
0x32: {  	s10 =	sld [smem:$0x3FB6];
	_ =	sdelay $0x3  }
0x33: {  	p0 =	seq.s32 s10, $0x1;
	s10 =	sld [smem:$0x3FB8];
	_ =	sdelay $0x3  }
0x34: {  	[smem:$0x3FB8] =	sst s10  }
0x35: {  	s10 =	sld [smem:$0x3FB7];
	_ =	sdelay $0x3  }
0x36: {  	p1 =	seq.s32 s10, $0x1;
	s10 =	sld [smem:$0x3FB8];
	_ =	sdelay $0x3  }
0x37: {  	[smem:$0x3FB8] =	sst s10  }
0x38: {  	s10 =	sld [smem:$0x3FB9]  }
0x39: {  	_ = 	snop;
	(pc) =	sbr.ind lr, $3  }
0x3a: {  	_ = 	snop  }
0x3b: {  	_ = 	snop  }
0x3c: {  	p2 =	seq.s32 s10, $0x1;
	s10 =	sld [smem:$0x3FB8]  }
0x3d: {  	_ =	shalt  }
0x3e: {  	_ =	shalt  }
0x3f: {  	_ =	shalt  }
0x40: {  	_ =	shalt  }
0x41: {  	_ =	shalt  }
0x42: {  	_ =	shalt  }
0x43: {  	_ =	shalt  }
0x44: {  	_ =	shalt  }
0x45: {  	_ =	shalt  }
0x46: {  	_ =	shalt  }
0x47: {  	_ =	shalt  }
0x48: {  	_ =	shalt  }
0x49: {  	_ =	shalt  }
0x4a: {  	_ =	shalt  }
0x4b: {  	_ =	shalt  }
0x4c: {  	_ =	shalt  }
0x4d: {  	_ =	shalt  }
0x4e: {  	_ =	shalt  }
0x4f: {  	_ =	shalt  }
0x50: {  	_ =	shalt  }
0x51: {  	_ =	shalt  }
0x52: {  	_ =	shalt  }
0x53: {  	_ =	shalt  }
0x54: {  	_ =	shalt  }
0x55: {  	_ =	shalt  }
0x56: {  	_ =	shalt  }
0x57: {  	_ =	shalt  }
0x58: {  	_ =	shalt  }
0x59: {  	_ =	shalt  }
0x5a: {  	_ =	shalt  }
0x5b: {  	_ =	shalt  }
0x5c: {  	_ =	shalt  }
0x5d: {  	_ =	shalt  }
0x5e: {  	_ =	shalt  }
0x5f: {  	_ =	shalt  }
0x60: {  	_ =	shalt  }
0x61: {  	_ =	shalt  }
0x62: {  	_ =	shalt  }
0x63: {  	_ =	shalt  }
0x64: {  	_ =	shalt  }
0x65: {  	_ =	shalt  }
0x66: {  	_ =	shalt  }
0x67: {  	_ =	shalt  }
0x68: {  	_ =	shalt  }
0x69: {  	_ =	shalt  }
0x6a: {  	_ =	shalt  }
0x6b: {  	_ =	shalt  }
0x6c: {  	_ =	shalt  }
0x6d: {  	_ =	shalt  }
0x6e: {  	_ =	shalt  }
0x6f: {  	_ =	shalt  }
0x70: {  	_ =	shalt  }
0x71: {  	_ =	shalt  }
0x72: {  	_ =	shalt  }
0x73: {  	_ =	shalt  }
0x74: {  	_ =	shalt  }
0x75: {  	_ =	shalt  }
0x76: {  	_ =	shalt  }
0x77: {  	_ =	shalt  }
0x78: {  	_ =	shalt  }
0x79: {  	_ =	shalt  }
0x7a: {  	_ =	shalt  }
0x7b: {  	_ =	shalt  }
0x7c: {  	_ =	shalt  }
0x7d: {  	_ =	shalt  }
0x7e: {  	_ =	shalt  }
0x7f: {  	_ =	shalt  }
0x80: {  	_ =	shalt  }
0x81: {  	_ =	shalt  }
0x82: {  	_ =	shalt  }
0x83: {  	_ =	shalt  }
0x84: {  	_ =	shalt  }
0x85: {  	_ =	shalt  }
0x86: {  	_ =	shalt  }
0x87: {  	_ =	shalt  }
.Lfunc_end0:
.L_simem_size_0:
called_computation.1_lowered:
.L_overlay_start_0:
0x88: {  	s2 =	sld [smem:$0x3FD9]  }
0x89: {  	s3 =	sld [smem:$0x3FFE];
	_ =	sdelay $0x1  }
0x8a: {  	s1 =	srdreg.scid  }
0x8b: {  	s0 =	sand.u32 $0x1, s1  }
0x8c: {  	s14 =	sshll.u32 s0, $0xA;
	s2 =	sadd.s32 s3, s2  }
0x8d: {  	s2 =	sadd.s32 s2, s14  }
0x8e: {  	[smem:$0x3FC4] =	sst s2  }
0x8f: {  	_ = 	snop  }
0x90: {  	s2 =	sld [smem:$0x3FD0];
	_ =	sdelay $0x2  }
0x91: {  	s15 =	simm.s32 $0xA;
	s4 =	simm.s32 $0x10  }
0x92: {  	[smem:s4], [sflag:s15] =	dma.local [hbm:s2], $0x1  }
0x93: {  	_ =	swait.eq [sflag:s15], $0x1  }
0x94: {  	[sflag:s15] =	ssyncset.done $0x0  }
0x95: {  	[sflag:s15] =	ssyncadd.s32 $0xFFFFFFFF  }
0x96: {  	s16 =	sld [smem:$0x11];
	(tm) =	ssettm $0x1  }
0x97: {  	s17 =	sld [smem:$0x3FFB];
	_ =	sdelay $0x3  }
0x98: {  	_ =	strace s17  }
0x99: {  	s3 =	sld [smem:$0x3FFC];
	_ =	sdelay $0x3  }
0x9a: {  	_ =	strace s3  }
0x9b: {  	s3 =	sld [smem:$0x3FFD];
	_ =	sdelay $0x3  }
0x9c: {  	_ =	strace s3  }
0x9d: {  	_ =	strace $0x8FFFFFFF  }
0x9e: {  	s18 =	sld [smem:$0x3FDB];
	_ =	sdelay $0x1  }
0x9f: {  	s19 =	simm.s32 $_scs_section_size  }
0xa0: {  	s5 =	simm.s32 $_size__tile_overlayer_lowered;
	s6 =	simm.s32 $_tile_overlayer_lowered  }
0xa1: {  	s22 =	simm.s32 $0x1BFF;
	s21 =	sshll.u32 s6, $0x1;
	s3 =	sadd.s32 s19, s18  }
0xa2: {  	s7 =	simm.s32 $0x0;
	s20 =	sshll.u32 s5, $0x1;
	s5 =	sadd.s32 s21, s3  }
0xa3: {  	[timem:s7], [sflag:s22] =	dma.local [hbm:s5], s20  }
0xa4: {  	_ =	swait.ge [sflag:s22], s20  }
0xa5: {  	s4 =	ssub.s32 $0x0, s20;
	[sflag:s22] =	ssyncset.done $0x0  }
0xa6: {  	[sflag:s22] =	ssyncadd.s32 s4;
	_ =	sdelay $0x1  }
0xa7: {  	s23 =	simm.s32 $0x1B8B  }
0xa8: {  	_ =	swait.ge [sflag:s23], $0x1  }
0xa9: {  	[sflag:s23] =	ssyncset.done $0x0  }
0xaa: {  	s25 =	simm.s32 $0x1B8E;
	s24 =	sld [smem:$0x3FFE];
	[sflag:s23] =	ssyncadd.s32 $0xFFFFFFFF  }
0xab: {  	s26 =	simm.s32 $execute0_lowered;
	[smem:$0x3FD2] =	sst s25  }
0xac: {  	s5 =	sshll.u32 s26, $0x1;
	_ =	strace $0x80000049;
	[dreg:$0x1] =	wrdreg $0xFFFFFFFF  }
0xad: {  	s28 =	simm.s32 $_size_execute0_lowered;
	s3 =	sadd.s32 s3, s5;
	[dreg:$0x0] =	wrdreg $0x0  }
0xae: {  	s5 =	sshll.u32 s28, $0x1;
	[dreg:$0x2] =	wrdreg s3  }
0xaf: {  	[dreg:$0x3] =	wrdreg s5  }
0xb0: {  	[dreg:$0x4] =	wrdreg $0xC0  }
0xb1: {  	_ =	task [dreg:s7], $0x5FFFF  }
0xb2: {  	[dreg:$0x1] =	wrdreg $0xFFFFFFFF  }
0xb3: {  	[dreg:$0x0] =	wrdreg $0x60  }
0xb4: {  	[dreg:$0x2] =	wrdreg s16  }
0xb5: {  	[dreg:$0x3] =	wrdreg s24  }
0xb6: {  	[dreg:$0x4] =	wrdreg $0x9  }
0xb7: {  	_ =	task.clear_ibuf [dreg:s7], $0x5FFFF;
	_ =	strace $0x90000049  }
0xb8: {  	s29 =	simm.s32 $0x9;
	_ =	strace $0x8000004B  }
0xb9: {  	_ =	swait.ge [sflag:s29], $0x1  }
0xba: {  	[sflag:s29] =	ssyncadd.s32 $0xFFFFFFFF  }
0xbb: {  	_ =	strace $0x9000004B  }
0xbc: {  	_ =	sfence  }
0xbd: {  	s30 =	sld [smem:$0x0];
	_ =	sdelay $0x2  }
0xbe: {  	s31 =	sshll.u32 s1, $0xD;
	s1 =	sshrl.u32 s1, $0x2  }
0xbf: {  	s3 =	sand.u32 $0x4000, s31;
	s1 =	sadd.s32 s1, s30  }
0xc0: {  	s0 =	sor.u32 s3, s0;
	s1 =	sshll.u32 s1, $0x11  }
0xc1: {  	s0 =	sor.u32 s1, s0  }
0xc2: {  	s0 =	sadd.s32 $0x8F2B, s0  }
0xc3: {  	[sflag:s0] =	ssyncadd.remote.s32 $0x1  }
0xc4: {  	_ =	sfence.sel $0xFFFF  }
0xc5: {  	[dreg:$0x0] =	wrdreg $0xFFFFFFFF;
	(pc) =	sbr.abs _section_cstart, $3  }
0xc6: {  	[dreg:$0x1] =	wrdreg $0xFFFFFFFF  }
0xc7: {  	_ =	task.clear_ibuf [dreg:s7], $0x2FFFF;
	_ =	strace $0x9FFFFFFF  }
0xc8: {  	(tm) =	ssettm $0x7FFFFFFF  }
0xc9: {  	_ =	shalt  }
tec
execute0_lowered:
.L_overlay_start_1:
0x0: {  	(tag) =	ssettag $0x1  }
0x1: {  	s1 =	srdreg.scid;
	s2 =	rddreg [dreg:$0x0]  }
0x2: {  	s0 =	stileid.u32;
	s4 =	rddreg [dreg:$0x1];
	s19 =	simm.s32 $0x900  }
0x3: {  	s20 =	simm.s32 $0x1100;
	s21 =	simm.s32 $0x1900;
	s23 =	simm.s32 $0x2100  }
0x4: {  	s24 =	simm.s32 $0x2900;
	s25 =	simm.s32 $0x3100;
	s26 =	simm.s32 $0x3900  }
0x5: {  	s8 =	simm.s32 $0x4900;
	s9 =	simm.s32 $0x5100;
	s10 =	simm.s32 $0x5900  }
0x6: {  	s11 =	simm.s32 $0x6100;
	s12 =	simm.s32 $0x6900;
	s13 =	simm.s32 $0x7100  }
0x7: {  	s14 =	simm.s32 $0x7900;
	s1 =	sand.u32 $0x1, s1;
	s3 =	sshll.u32 s0, $0x1  }
0x8: {  	s15 =	simm.s32 $0x1;
	s5 =	sor.u32 s1, s3;
	s3 =	simm.s32 $0x0  }
0x9: {  	s16 =	simm.s32 $0x8100;
	s17 =	simm.s32 $0x8900;
	[smem:$0x7FF] =	sst s3  }
0xa: {  	s28 =	simm.s32 $0xD900;
	_ =	strace $0x8000004A;
	[dreg:$0x5] =	wrdreg s19  }
0xb: {  	s29 =	simm.s32 $0xE100;
	s30 =	simm.s32 $0xE900;
	[dreg:$0x6] =	wrdreg s20  }
0xc: {  	s31 =	simm.s32 $0xF100;
	s1 =	ssub.s32 $0x2, s1;
	[dreg:$0x7] =	wrdreg s21  }
0xd: {  	s6 =	sshll.u32 s5, $0x5;
	s5 =	sshll.u32 s5, $0xD;
	[dreg:$0x8] =	wrdreg s23  }
0xe: {  	s22 =	sshrl.u32 s1, $0x1;
	s6 =	sadd.s32 s6, s4;
	[dreg:$0x9] =	wrdreg s24  }
0xf: {  	s4 =	sadd.s32 s5, s4;
	s1 =	ssub.s32 s1, s22;
	[dreg:$0xa] =	wrdreg s25  }
0x10: {  	s5 =	simm.s32 $0x2;
	[dreg:$0xb] =	wrdreg s26;
	s19 =	simm.s32 $0x9900  }
0x11: {  	s20 =	simm.s32 $0xA100;
	s21 =	simm.s32 $0xA900;
	s22 =	simm.s32 $0xB100  }
0x12: {  	s23 =	simm.s32 $0xB900;
	s24 =	simm.s32 $0xC100;
	s18 =	sadd.s32 $0x600, s6  }
0x13: {  	v2 =	vlaneseq.u32;
	s25 =	simm.s32 $0xC900;
	s4 =	sadd.s32 $0xA00, s4;
	[dreg:$0x3] =	wrdreg s18  }
0x14: {  	vm0 =	vmmov $0xffff;
	v1 =	vshrl.u32 v2, $0x3;
	s26 =	simm.s32 $0xD100;
	s6 =	simm.s32 $0x100;
	[dreg:$0x4] =	wrdreg s4  }
0x15: {  	v0 =	vand.u32 $0x7, v2;
	v2 =	vor.u32 $0x8, v2;
	v1 =	vmul.u32 $0x8, v1;
	s4 =	smax.u32 s1, $0x1;
	s18 =	simm.s32 $0x9100;
	s1 =	simm.s32 $0xF900  }
.LBB2_1:
0x16: {  	s0 =	rddreg [dreg:$0x3]  }
0x17: {  	[tilespmem:s3], [sflag:$0x2] =	stream.linear.gather [hbm4b:s0+s3], $0x100, $0x38;
	[tilespmem:$0x10100] =	vst v63  }
0x18: {  	_ =	swait.ge [sflag:s5], $0x100  }
0x19: {  	[sflag:s5] =	ssyncset.done $0x0  }
0x1a: {  	[sflag:s5] =	ssyncadd.s32 $0xFFFFFF00  }
0x1b: {  	v3 =	vld [tilespmem:$0x0];
	_ =	sdelay $0x4  }
0x1c: {  	v4 =	vshll.u32 v3, $0x1  }
0x1d: {  	v3 =	vand.u32 $0x7, v3;
	v4 =	vand.u32 $0xFFFFFFF0, v4  }
0x1e: {  	v3 =	vor.u32 v3, v4  }
0x1f: {  	v4 =	vperm.xlane v3, v0;
	_ =	sdelay $0x1  }
0x20: {  	v3 =	vperm.xlane v3, v2;
	v4 =	vadd.s32 v1, v4;
	_ =	sdelay $0x1  }
0x21: {  	v3 =	vadd.s32 v1, v3;
	_ =	sdelay $0x2  }
0x22: {  	[tilespmem:s6], [sflag:$0x1] =	stream.indirect_vreg.gather [hbm4b:s2+s3], $0x80, v4, vm0, $0xb8;
	[tilespmem:$0x10100] =	vst v63  }
0x23: {  	s7 =	rddreg [dreg:$0x5]  }
0x24: {  	[tilespmem:s7], [sflag:$0x1] =	stream.indirect_vreg.gather [hbm4b:s2+s3], $0x80, v3, vm0, $0xb8;
	[tilespmem:$0x10100] =	vst v63  }
0x25: {  	v3 =	vld [tilespmem:$0x10];
	_ =	sdelay $0x4  }
0x26: {  	v49 =	vshll.u32 v3, $0x1  }
0x27: {  	v3 =	vand.u32 $0x7, v3;
	v4 =	vand.u32 $0xFFFFFFF0, v49  }
0x28: {  	v3 =	vor.u32 v3, v4  }
0x29: {  	v4 =	vperm.xlane v3, v0;
	_ =	sdelay $0x1  }
0x2a: {  	v3 =	vperm.xlane v3, v2;
	v4 =	vadd.s32 v1, v4;
	_ =	sdelay $0x1  }
0x2b: {  	v3 =	vadd.s32 v1, v3;
	_ =	sdelay $0x1  }
0x2c: {  	s0 =	rddreg [dreg:$0x6]  }
0x2d: {  	[tilespmem:s0], [sflag:$0x1] =	stream.indirect_vreg.gather [hbm4b:s2+s3], $0x80, v4, vm0, $0xb8;
	[tilespmem:$0x10100] =	vst v63  }
0x2e: {  	s7 =	rddreg [dreg:$0x7]  }
0x2f: {  	[tilespmem:s7], [sflag:$0x1] =	stream.indirect_vreg.gather [hbm4b:s2+s3], $0x80, v3, vm0, $0xb8;
	[tilespmem:$0x10100] =	vst v63  }
0x30: {  	v3 =	vld [tilespmem:$0x20];
	_ =	sdelay $0x4  }
0x31: {  	v50 =	vshll.u32 v3, $0x1  }
0x32: {  	v3 =	vand.u32 $0x7, v3;
	v4 =	vand.u32 $0xFFFFFFF0, v50  }
0x33: {  	v3 =	vor.u32 v3, v4  }
0x34: {  	v4 =	vperm.xlane v3, v0;
	_ =	sdelay $0x1  }
0x35: {  	v3 =	vperm.xlane v3, v2;
	v4 =	vadd.s32 v1, v4;
	_ =	sdelay $0x1  }
0x36: {  	v3 =	vadd.s32 v1, v3;
	_ =	sdelay $0x1  }
0x37: {  	s0 =	rddreg [dreg:$0x8]  }
0x38: {  	[tilespmem:s0], [sflag:$0x1] =	stream.indirect_vreg.gather [hbm4b:s2+s3], $0x80, v4, vm0, $0xb8;
	[tilespmem:$0x10100] =	vst v63  }
0x39: {  	s7 =	rddreg [dreg:$0x9]  }
0x3a: {  	[tilespmem:s7], [sflag:$0x1] =	stream.indirect_vreg.gather [hbm4b:s2+s3], $0x80, v3, vm0, $0xb8;
	[tilespmem:$0x10100] =	vst v63  }
0x3b: {  	v3 =	vld [tilespmem:$0x30];
	_ =	sdelay $0x4  }
0x3c: {  	v51 =	vshll.u32 v3, $0x1  }
0x3d: {  	v3 =	vand.u32 $0x7, v3;
	v4 =	vand.u32 $0xFFFFFFF0, v51  }
0x3e: {  	v3 =	vor.u32 v3, v4  }
0x3f: {  	v4 =	vperm.xlane v3, v0;
	_ =	sdelay $0x1  }
0x40: {  	v3 =	vperm.xlane v3, v2;
	v4 =	vadd.s32 v1, v4;
	_ =	sdelay $0x1  }
0x41: {  	v3 =	vadd.s32 v1, v3;
	_ =	sdelay $0x1  }
0x42: {  	s0 =	rddreg [dreg:$0xa]  }
0x43: {  	[tilespmem:s0], [sflag:$0x1] =	stream.indirect_vreg.gather [hbm4b:s2+s3], $0x80, v4, vm0, $0xb8;
	[tilespmem:$0x10100] =	vst v63  }
0x44: {  	s7 =	rddreg [dreg:$0xb]  }
0x45: {  	[tilespmem:s7], [sflag:$0x1] =	stream.indirect_vreg.gather [hbm4b:s2+s3], $0x80, v3, vm0, $0xb8;
	[tilespmem:$0x10100] =	vst v63  }
0x46: {  	v3 =	vld [tilespmem:$0x40];
	_ =	sdelay $0x4  }
0x47: {  	v52 =	vshll.u32 v3, $0x1  }
0x48: {  	v3 =	vand.u32 $0x7, v3;
	v4 =	vand.u32 $0xFFFFFFF0, v52  }
0x49: {  	v3 =	vor.u32 v3, v4  }
0x4a: {  	v4 =	vperm.xlane v3, v0;
	_ =	sdelay $0x1  }
0x4b: {  	v3 =	vperm.xlane v3, v2;
	v4 =	vadd.s32 v1, v4;
	_ =	sdelay $0x1  }
0x4c: {  	v3 =	vadd.s32 v1, v3;
	_ =	sdelay $0x1  }
0x4d: {  	s7 =	simm.s32 $0x4100  }
0x4e: {  	[tilespmem:s7], [sflag:$0x1] =	stream.indirect_vreg.gather [hbm4b:s2+s3], $0x80, v4, vm0, $0xb8;
	[tilespmem:$0x10100] =	vst v63  }
0x4f: {  	_ = 	snop  }
0x50: {  	[tilespmem:s8], [sflag:$0x1] =	stream.indirect_vreg.gather [hbm4b:s2+s3], $0x80, v3, vm0, $0xb8;
	[tilespmem:$0x10100] =	vst v63  }
0x51: {  	v3 =	vld [tilespmem:$0x50];
	_ =	sdelay $0x4  }
0x52: {  	v53 =	vshll.u32 v3, $0x1  }
0x53: {  	v3 =	vand.u32 $0x7, v3;
	v4 =	vand.u32 $0xFFFFFFF0, v53  }
0x54: {  	v3 =	vor.u32 v3, v4  }
0x55: {  	v4 =	vperm.xlane v3, v0;
	_ =	sdelay $0x1  }
0x56: {  	v3 =	vperm.xlane v3, v2;
	v4 =	vadd.s32 v1, v4;
	_ =	sdelay $0x1  }
0x57: {  	v3 =	vadd.s32 v1, v3;
	_ =	sdelay $0x2  }
0x58: {  	[tilespmem:s9], [sflag:$0x1] =	stream.indirect_vreg.gather [hbm4b:s2+s3], $0x80, v4, vm0, $0xb8;
	[tilespmem:$0x10100] =	vst v63  }
0x59: {  	_ = 	snop  }
0x5a: {  	[tilespmem:s10], [sflag:$0x1] =	stream.indirect_vreg.gather [hbm4b:s2+s3], $0x80, v3, vm0, $0xb8;
	[tilespmem:$0x10100] =	vst v63  }
0x5b: {  	v3 =	vld [tilespmem:$0x60];
	_ =	sdelay $0x4  }
0x5c: {  	v54 =	vshll.u32 v3, $0x1  }
0x5d: {  	v3 =	vand.u32 $0x7, v3;
	v4 =	vand.u32 $0xFFFFFFF0, v54  }
0x5e: {  	v3 =	vor.u32 v3, v4  }
0x5f: {  	v4 =	vperm.xlane v3, v0;
	_ =	sdelay $0x1  }
0x60: {  	v3 =	vperm.xlane v3, v2;
	v4 =	vadd.s32 v1, v4;
	_ =	sdelay $0x1  }
0x61: {  	v3 =	vadd.s32 v1, v3;
	_ =	sdelay $0x2  }
0x62: {  	[tilespmem:s11], [sflag:$0x1] =	stream.indirect_vreg.gather [hbm4b:s2+s3], $0x80, v4, vm0, $0xb8;
	[tilespmem:$0x10100] =	vst v63  }
0x63: {  	_ = 	snop  }
0x64: {  	[tilespmem:s12], [sflag:$0x1] =	stream.indirect_vreg.gather [hbm4b:s2+s3], $0x80, v3, vm0, $0xb8;
	[tilespmem:$0x10100] =	vst v63  }
0x65: {  	v3 =	vld [tilespmem:$0x70];
	_ =	sdelay $0x4  }
0x66: {  	v55 =	vshll.u32 v3, $0x1  }
0x67: {  	v3 =	vand.u32 $0x7, v3;
	v4 =	vand.u32 $0xFFFFFFF0, v55  }
0x68: {  	v3 =	vor.u32 v3, v4  }
0x69: {  	v4 =	vperm.xlane v3, v0;
	_ =	sdelay $0x1  }
0x6a: {  	v3 =	vperm.xlane v3, v2;
	v4 =	vadd.s32 v1, v4;
	_ =	sdelay $0x1  }
0x6b: {  	v3 =	vadd.s32 v1, v3;
	_ =	sdelay $0x2  }
0x6c: {  	[tilespmem:s13], [sflag:$0x1] =	stream.indirect_vreg.gather [hbm4b:s2+s3], $0x80, v4, vm0, $0xb8;
	[tilespmem:$0x10100] =	vst v63  }
0x6d: {  	_ = 	snop  }
0x6e: {  	[tilespmem:s14], [sflag:$0x1] =	stream.indirect_vreg.gather [hbm4b:s2+s3], $0x80, v3, vm0, $0xb8;
	[tilespmem:$0x10100] =	vst v63  }
0x6f: {  	_ =	swait.ge [sflag:s15], $0x8000  }
0x70: {  	[sflag:s15] =	ssyncset.done $0x0  }
0x71: {  	[sflag:s15] =	ssyncadd.s32 $0xFFFF8000  }
0x72: {  	v3 =	vld [tilespmem:$0x80];
	_ =	sdelay $0x4  }
0x73: {  	v56 =	vshll.u32 v3, $0x1  }
0x74: {  	v3 =	vand.u32 $0x7, v3;
	v4 =	vand.u32 $0xFFFFFFF0, v56  }
0x75: {  	v3 =	vor.u32 v3, v4  }
0x76: {  	v4 =	vperm.xlane v3, v0;
	_ =	sdelay $0x1  }
0x77: {  	v3 =	vperm.xlane v3, v2;
	v4 =	vadd.s32 v1, v4;
	_ =	sdelay $0x1  }
0x78: {  	v3 =	vadd.s32 v1, v3;
	_ =	sdelay $0x2  }
0x79: {  	[tilespmem:s16], [sflag:$0x1] =	stream.indirect_vreg.gather [hbm4b:s2+s3], $0x80, v4, vm0, $0xb8;
	[tilespmem:$0x10100] =	vst v63  }
0x7a: {  	_ = 	snop  }
0x7b: {  	[tilespmem:s17], [sflag:$0x1] =	stream.indirect_vreg.gather [hbm4b:s2+s3], $0x80, v3, vm0, $0xb8;
	[tilespmem:$0x10100] =	vst v63  }
0x7c: {  	v3 =	vld [tilespmem:$0x90];
	_ =	sdelay $0x4  }
0x7d: {  	v57 =	vshll.u32 v3, $0x1  }
0x7e: {  	v3 =	vand.u32 $0x7, v3;
	v4 =	vand.u32 $0xFFFFFFF0, v57  }
0x7f: {  	v3 =	vor.u32 v3, v4  }
0x80: {  	v4 =	vperm.xlane v3, v0;
	_ =	sdelay $0x1  }
0x81: {  	v3 =	vperm.xlane v3, v2;
	v4 =	vadd.s32 v1, v4;
	_ =	sdelay $0x1  }
0x82: {  	v3 =	vadd.s32 v1, v3;
	_ =	sdelay $0x2  }
0x83: {  	[tilespmem:s18], [sflag:$0x1] =	stream.indirect_vreg.gather [hbm4b:s2+s3], $0x80, v4, vm0, $0xb8;
	[tilespmem:$0x10100] =	vst v63  }
0x84: {  	_ = 	snop  }
0x85: {  	[tilespmem:s19], [sflag:$0x1] =	stream.indirect_vreg.gather [hbm4b:s2+s3], $0x80, v3, vm0, $0xb8;
	[tilespmem:$0x10100] =	vst v63  }
0x86: {  	v3 =	vld [tilespmem:$0xA0];
	_ =	sdelay $0x4  }
0x87: {  	v58 =	vshll.u32 v3, $0x1  }
0x88: {  	v3 =	vand.u32 $0x7, v3;
	v4 =	vand.u32 $0xFFFFFFF0, v58  }
0x89: {  	v3 =	vor.u32 v3, v4  }
0x8a: {  	v4 =	vperm.xlane v3, v0;
	_ =	sdelay $0x1  }
0x8b: {  	v3 =	vperm.xlane v3, v2;
	v4 =	vadd.s32 v1, v4;
	_ =	sdelay $0x1  }
0x8c: {  	v3 =	vadd.s32 v1, v3;
	_ =	sdelay $0x2  }
0x8d: {  	[tilespmem:s20], [sflag:$0x1] =	stream.indirect_vreg.gather [hbm4b:s2+s3], $0x80, v4, vm0, $0xb8;
	[tilespmem:$0x10100] =	vst v63  }
0x8e: {  	_ = 	snop  }
0x8f: {  	[tilespmem:s21], [sflag:$0x1] =	stream.indirect_vreg.gather [hbm4b:s2+s3], $0x80, v3, vm0, $0xb8;
	[tilespmem:$0x10100] =	vst v63  }
0x90: {  	v3 =	vld [tilespmem:$0xB0];
	_ =	sdelay $0x4  }
0x91: {  	v59 =	vshll.u32 v3, $0x1  }
0x92: {  	v3 =	vand.u32 $0x7, v3;
	v4 =	vand.u32 $0xFFFFFFF0, v59  }
0x93: {  	v3 =	vor.u32 v3, v4  }
0x94: {  	v4 =	vperm.xlane v3, v0;
	_ =	sdelay $0x1  }
0x95: {  	v3 =	vperm.xlane v3, v2;
	v4 =	vadd.s32 v1, v4;
	_ =	sdelay $0x1  }
0x96: {  	v3 =	vadd.s32 v1, v3;
	_ =	sdelay $0x2  }
0x97: {  	[tilespmem:s22], [sflag:$0x1] =	stream.indirect_vreg.gather [hbm4b:s2+s3], $0x80, v4, vm0, $0xb8;
	[tilespmem:$0x10100] =	vst v63  }
0x98: {  	_ = 	snop  }
0x99: {  	[tilespmem:s23], [sflag:$0x1] =	stream.indirect_vreg.gather [hbm4b:s2+s3], $0x80, v3, vm0, $0xb8;
	[tilespmem:$0x10100] =	vst v63  }
0x9a: {  	v3 =	vld [tilespmem:$0xC0];
	_ =	sdelay $0x4  }
0x9b: {  	v60 =	vshll.u32 v3, $0x1  }
0x9c: {  	v3 =	vand.u32 $0x7, v3;
	v4 =	vand.u32 $0xFFFFFFF0, v60  }
0x9d: {  	v3 =	vor.u32 v3, v4  }
0x9e: {  	v4 =	vperm.xlane v3, v0;
	_ =	sdelay $0x1  }
0x9f: {  	v3 =	vperm.xlane v3, v2;
	v4 =	vadd.s32 v1, v4;
	_ =	sdelay $0x1  }
0xa0: {  	v3 =	vadd.s32 v1, v3;
	_ =	sdelay $0x2  }
0xa1: {  	[tilespmem:s24], [sflag:$0x1] =	stream.indirect_vreg.gather [hbm4b:s2+s3], $0x80, v4, vm0, $0xb8;
	[tilespmem:$0x10100] =	vst v63  }
0xa2: {  	_ = 	snop  }
0xa3: {  	[tilespmem:s25], [sflag:$0x1] =	stream.indirect_vreg.gather [hbm4b:s2+s3], $0x80, v3, vm0, $0xb8;
	[tilespmem:$0x10100] =	vst v63  }
0xa4: {  	v3 =	vld [tilespmem:$0xD0];
	_ =	sdelay $0x4  }
0xa5: {  	v61 =	vshll.u32 v3, $0x1  }
0xa6: {  	v3 =	vand.u32 $0x7, v3;
	v4 =	vand.u32 $0xFFFFFFF0, v61  }
0xa7: {  	v3 =	vor.u32 v3, v4  }
0xa8: {  	v4 =	vperm.xlane v3, v0;
	_ =	sdelay $0x1  }
0xa9: {  	v3 =	vperm.xlane v3, v2;
	v4 =	vadd.s32 v1, v4;
	_ =	sdelay $0x1  }
0xaa: {  	v3 =	vadd.s32 v1, v3;
	_ =	sdelay $0x2  }
0xab: {  	[tilespmem:s26], [sflag:$0x1] =	stream.indirect_vreg.gather [hbm4b:s2+s3], $0x80, v4, vm0, $0xb8;
	[tilespmem:$0x10100] =	vst v63  }
0xac: {  	_ = 	snop  }
0xad: {  	[tilespmem:s28], [sflag:$0x1] =	stream.indirect_vreg.gather [hbm4b:s2+s3], $0x80, v3, vm0, $0xb8;
	[tilespmem:$0x10100] =	vst v63  }
0xae: {  	v3 =	vld [tilespmem:$0xE0];
	_ =	sdelay $0x4  }
0xaf: {  	v62 =	vshll.u32 v3, $0x1  }
0xb0: {  	v3 =	vand.u32 $0x7, v3;
	v4 =	vand.u32 $0xFFFFFFF0, v62  }
0xb1: {  	v3 =	vor.u32 v3, v4  }
0xb2: {  	v4 =	vperm.xlane v3, v0;
	_ =	sdelay $0x1  }
0xb3: {  	v3 =	vperm.xlane v3, v2;
	v4 =	vadd.s32 v1, v4;
	_ =	sdelay $0x1  }
0xb4: {  	v3 =	vadd.s32 v1, v3;
	_ =	sdelay $0x2  }
0xb5: {  	[tilespmem:s29], [sflag:$0x1] =	stream.indirect_vreg.gather [hbm4b:s2+s3], $0x80, v4, vm0, $0xb8;
	[tilespmem:$0x10100] =	vst v63  }
0xb6: {  	_ = 	snop  }
0xb7: {  	[tilespmem:s30], [sflag:$0x1] =	stream.indirect_vreg.gather [hbm4b:s2+s3], $0x80, v3, vm0, $0xb8;
	[tilespmem:$0x10100] =	vst v63  }
0xb8: {  	v3 =	vld [tilespmem:$0xF0];
	_ =	sdelay $0x4  }
0xb9: {  	v63 =	vshll.u32 v3, $0x1  }
0xba: {  	v3 =	vand.u32 $0x7, v3;
	v4 =	vand.u32 $0xFFFFFFF0, v63  }
0xbb: {  	v3 =	vor.u32 v3, v4  }
0xbc: {  	v4 =	vperm.xlane v3, v0;
	_ =	sdelay $0x1  }
0xbd: {  	v3 =	vperm.xlane v3, v2;
	v4 =	vadd.s32 v1, v4;
	_ =	sdelay $0x1  }
0xbe: {  	v3 =	vadd.s32 v1, v3;
	_ =	sdelay $0x2  }
0xbf: {  	[tilespmem:s31], [sflag:$0x1] =	stream.indirect_vreg.gather [hbm4b:s2+s3], $0x80, v4, vm0, $0xb8;
	[tilespmem:$0x10100] =	vst v63  }
0xc0: {  	_ = 	snop  }
0xc1: {  	[tilespmem:s1], [sflag:$0x1] =	stream.indirect_vreg.gather [hbm4b:s2+s3], $0x80, v3, vm0, $0xb8;
	[tilespmem:$0x10100] =	vst v63  }
0xc2: {  	_ =	swait.ge [sflag:s15], $0x8000  }
0xc3: {  	p0 =	sne.s32 s4, $0x1;
	[sflag:s15] =	ssyncset.done $0x0  }
.Ltmp0:
0xc4: {  	s7 =	rddreg [dreg:$0x4];
	[sflag:s15] =	ssyncadd.s32 $0xFFFF8000;
	(pc) =	sbr.rel @p0 .LBB2_1-.Ltmp0, $4  }
0xc5: {  	[hbm4b:s7+s3] =	stream.linear.scatter [tilespmem:s6], [sflag:$0x2], $0x10000, $0x38;
	[tilespmem:$0x10100] =	vst v63  }
0xc6: {  	_ =	swait.ge [sflag:s5], $0x10000  }
0xc7: {  	[sflag:s5] =	ssyncset.done $0x0  }
0xc8: {  	s4 =	sadd.s32 $0xFFFFFFFF, s4;
	[sflag:s5] =	ssyncadd.s32 $0xFFFF0000  }
0xc9: {  	_ =	sfence.sel $0x180000  }
0xca: {  	[bflag:$0x0] =	sbarrier.arrive $0xFFFF  }
0xcb: {  	_ =	strace $0x9000004A  }
0xcc: {  	s0 =	stileid.u32;
	[bflag:$0x2] =	sbarrier.arrive $0xFFFF  }
0xcd: {  	p0 =	sne.s32 s0, $0x0;
	s0 =	rddreg [dreg:$0x2]  }
0xce: {  	s0 =	sadd.s32 @!p0 $0x100000, s0  }
0xcf: {  	[sflag:s0] =	ssyncadd.tile.s32 @!p0 $0x1;
	_ =	shalt  }
.Lfunc_end2:
_tile_overlayer_lowered:
.L_overlay_start_2:
0xd0: {  	(tag) =	ssettag $0x2  }
0xd1: {  	s0 =	rddreg [dreg:$0x0];
	s2 =	stileid.u32  }
0xd2: {  	s1 =	rddreg [dreg:$0x1];
	p0 =	sne.s32 s2, $0x0  }
0xd3: {  	s3 =	rddreg [dreg:$0x2];
	[bflag:$0x3] =	sbarrier.arrive $0xFFFF;
	s2 =	simm.s32 @!p0 $0x1C02  }
0xd4: {  	[timem:s3], [sflag:s2] =	dma.local @!p0 [hbm:s0], s1  }
0xd5: {  	s0 =	simm.s32 @!p0 $0x2  }
0xd6: {  	_ =	swait.ge @!p0 [sflag:s0], s1  }
0xd7: {  	s1 =	ssub.s32 @!p0 $0x0, s1;
	[sflag:s0] =	ssyncset.done @!p0 $0x0  }
0xd8: {  	[sflag:s0] =	ssyncadd.s32 @!p0 s1  }
0xd9: {  	[bflag:$0x3] =	sbarrier.arrive $0xFFFF  }
0xda: {  	_ =	shalt  }

// kernel: kernel.7.cloned.1.call-start
scs
__scs_entry_jumppad:
0x0: {  	(pc) =	sbr.rel $0x88, $3  }
0x1: {  	(tag) =	ssettag $0x0;
	lr =	simm.s32 $0x1  }
0x2: {  	[smem:$0x3F9D] =	sst lr;
	_ =	strace $0xD0000000  }
0x3: {  	_ = 	snop  }
0x4: {  	_ = 	snop  }
0x5: {  	_ = 	snop  }
0x6: {  	_ = 	snop  }
0x7: {  	_ = 	snop  }
__scs_overlays_trampoline_lowered:
0x8: {  	[smem:$0x3FAC] =	sst s0  }
0x9: {  	[smem:$0x3FAD] =	sst s1  }
0xa: {  	[smem:$0x3FAE] =	sst s2  }
0xb: {  	[smem:$0x3FAF] =	sst s3  }
0xc: {  	[smem:$0x3FB0] =	sst s4  }
0xd: {  	[smem:$0x3FB1] =	sst s5  }
0xe: {  	[smem:$0x3FB2] =	sst s6  }
0xf: {  	[smem:$0x3FB3] =	sst s7  }
0x10: {  	[smem:$0x3FB4] =	sst s8  }
0x11: {  	[smem:$0x3FB5] =	sst s9;
	s0 =	simm.s32 @!p0 $0x0  }
0x12: {  	s1 =	sld [smem:$0x3F9B];
	s0 =	simm.s32 @p0 $0x1  }
0x13: {  	[smem:$0x3FB6] =	sst s0;
	s0 =	simm.s32 @!p1 $0x0  }
0x14: {  	s2 =	sld [smem:$0x3F9A];
	s0 =	simm.s32 @p1 $0x1  }
0x15: {  	[smem:$0x3FB7] =	sst s0;
	s0 =	simm.s32 @!p2 $0x0  }
0x16: {  	s3 =	sld [smem:$0x3FDB];
	s0 =	simm.s32 @p2 $0x1  }
0x17: {  	s4 =	simm.s32 $0x1BF5;
	[smem:$0x3FB9] =	sst s0  }
0x18: {  	s0 =	sld [smem:$0x3F9C];
	_ =	swait.ge [sflag:s4], $0x0  }
0x19: {  	s7 =	sld [smem:$0x3F9D]  }
0x1a: {  	s8 =	sadd.s32 $0xFFFFE003, lr  }
0x1b: {  	s9 =	sadd.s32 $0xFFFFFEF7, lr;
	s5 =	simm.s32 $0xFFFFFFFF;
	p2 =	slt.u32 s8, $0xFFFFF086  }
0x1c: {  	p1 =	slt.u32 s9, $0xF7A;
	s5 =	simm.s32 @!p2 $0x0  }
0x1d: {  	s5 =	simm.s32 @p1 $0x1;
	p0 =	seq.s32 s7, s2  }
0x1e: {  	s7 =	smul.u32 @!p0 $0xF7A, s2;
	p2 =	seq.s32 @!p0 s5, $0x0  }
0x1f: {  	s9 =	smul.u32 $0xF7A, s1;
	s8 =	simm.s32 @!p0 $0x1BF5;
	p2 =	por !p2, p0  }
0x20: {  	[sflag:s8] =	ssyncset.s32 @!p0 $0xFFFFF086;
	s6 =	sadd.s32 @!p0 s3, s7;
	s7 =	simm.s32 @!p0 $0x108  }
0x21: {  	s3 =	sadd.s32 s3, s9;
	s6 =	sadd.s32 @!p0 $0x88, s6;
	s7 =	simm.s32 @p2 $0x1082  }
0x22: {  	[simem:s7], [sflag:s8] =	dma.local @!p0 [hbm:s6], $0xF7A  }
0x23: {  	s9 =	sor.u32 $0xD0000000, s2;
	s6 =	simm.s32 $0x108;
	_ =	swait.ge @!p0 [sflag:s8], $0x0  }
0x24: {  	s3 =	sadd.s32 $0x88, s3;
	s6 =	simm.s32 @!p1 $0x1082;
	[sflag:s4] =	ssyncset.s32 $0xFFFFF086  }
0x25: {  	[simem:s6], [sflag:s4] =	dma.local [hbm:s3], $0xF7A  }
0x26: {  	[smem:$0x3F9D] =	sst s1;
	(tag) =	ssettag s2;
	_ =	strace s9  }
0x27: {  	s1 =	sld [smem:$0x3FAD]  }
0x28: {  	s2 =	sld [smem:$0x3FAE]  }
0x29: {  	s4 =	sld [smem:$0x3FB0]  }
0x2a: {  	p0 =	seq.s32 s5, $0x0;
	s5 =	sld [smem:$0x3FB1]  }
0x2b: {  	s6 =	sld [smem:$0x3FB2]  }
0x2c: {  	s7 =	sld [smem:$0x3FB3]  }
0x2d: {  	s3 =	simm.s32 $0x108;
	s8 =	sld [smem:$0x3FB4]  }
0x2e: {  	s3 =	simm.s32 @!p0 $0x1082;
	s9 =	sld [smem:$0x3FB5]  }
0x2f: {  	lr =	sadd.s32 s0, s3;
	s0 =	sld [smem:$0x3FAC]  }
0x30: {  	s3 =	sld [smem:$0x3FAF]  }
0x31: {  	[smem:$0x3FB8] =	sst s10  }
0x32: {  	s10 =	sld [smem:$0x3FB6];
	_ =	sdelay $0x3  }
0x33: {  	p0 =	seq.s32 s10, $0x1;
	s10 =	sld [smem:$0x3FB8];
	_ =	sdelay $0x3  }
0x34: {  	[smem:$0x3FB8] =	sst s10  }
0x35: {  	s10 =	sld [smem:$0x3FB7];
	_ =	sdelay $0x3  }
0x36: {  	p1 =	seq.s32 s10, $0x1;
	s10 =	sld [smem:$0x3FB8];
	_ =	sdelay $0x3  }
0x37: {  	[smem:$0x3FB8] =	sst s10  }
0x38: {  	s10 =	sld [smem:$0x3FB9]  }
0x39: {  	_ = 	snop;
	(pc) =	sbr.ind lr, $3  }
0x3a: {  	_ = 	snop  }
0x3b: {  	_ = 	snop  }
0x3c: {  	p2 =	seq.s32 s10, $0x1;
	s10 =	sld [smem:$0x3FB8]  }
0x3d: {  	_ =	shalt  }
0x3e: {  	_ =	shalt  }
0x3f: {  	_ =	shalt  }
0x40: {  	_ =	shalt  }
0x41: {  	_ =	shalt  }
0x42: {  	_ =	shalt  }
0x43: {  	_ =	shalt  }
0x44: {  	_ =	shalt  }
0x45: {  	_ =	shalt  }
0x46: {  	_ =	shalt  }
0x47: {  	_ =	shalt  }
0x48: {  	_ =	shalt  }
0x49: {  	_ =	shalt  }
0x4a: {  	_ =	shalt  }
0x4b: {  	_ =	shalt  }
0x4c: {  	_ =	shalt  }
0x4d: {  	_ =	shalt  }
0x4e: {  	_ =	shalt  }
0x4f: {  	_ =	shalt  }
0x50: {  	_ =	shalt  }
0x51: {  	_ =	shalt  }
0x52: {  	_ =	shalt  }
0x53: {  	_ =	shalt  }
0x54: {  	_ =	shalt  }
0x55: {  	_ =	shalt  }
0x56: {  	_ =	shalt  }
0x57: {  	_ =	shalt  }
0x58: {  	_ =	shalt  }
0x59: {  	_ =	shalt  }
0x5a: {  	_ =	shalt  }
0x5b: {  	_ =	shalt  }
0x5c: {  	_ =	shalt  }
0x5d: {  	_ =	shalt  }
0x5e: {  	_ =	shalt  }
0x5f: {  	_ =	shalt  }
0x60: {  	_ =	shalt  }
0x61: {  	_ =	shalt  }
0x62: {  	_ =	shalt  }
0x63: {  	_ =	shalt  }
0x64: {  	_ =	shalt  }
0x65: {  	_ =	shalt  }
0x66: {  	_ =	shalt  }
0x67: {  	_ =	shalt  }
0x68: {  	_ =	shalt  }
0x69: {  	_ =	shalt  }
0x6a: {  	_ =	shalt  }
0x6b: {  	_ =	shalt  }
0x6c: {  	_ =	shalt  }
0x6d: {  	_ =	shalt  }
0x6e: {  	_ =	shalt  }
0x6f: {  	_ =	shalt  }
0x70: {  	_ =	shalt  }
0x71: {  	_ =	shalt  }
0x72: {  	_ =	shalt  }
0x73: {  	_ =	shalt  }
0x74: {  	_ =	shalt  }
0x75: {  	_ =	shalt  }
0x76: {  	_ =	shalt  }
0x77: {  	_ =	shalt  }
0x78: {  	_ =	shalt  }
0x79: {  	_ =	shalt  }
0x7a: {  	_ =	shalt  }
0x7b: {  	_ =	shalt  }
0x7c: {  	_ =	shalt  }
0x7d: {  	_ =	shalt  }
0x7e: {  	_ =	shalt  }
0x7f: {  	_ =	shalt  }
0x80: {  	_ =	shalt  }
0x81: {  	_ =	shalt  }
0x82: {  	_ =	shalt  }
0x83: {  	_ =	shalt  }
0x84: {  	_ =	shalt  }
0x85: {  	_ =	shalt  }
0x86: {  	_ =	shalt  }
0x87: {  	_ =	shalt  }
.Lfunc_end0:
.L_simem_size_0:
called_computation_lowered:
.L_overlay_start_0:
0x88: {  	s2 =	sld [smem:$0x3FD9]  }
0x89: {  	s3 =	sld [smem:$0x3FFE];
	_ =	sdelay $0x1  }
0x8a: {  	s1 =	srdreg.scid  }
0x8b: {  	s0 =	sand.u32 $0x1, s1  }
0x8c: {  	s14 =	sshll.u32 s0, $0xA;
	s2 =	sadd.s32 s3, s2  }
0x8d: {  	s2 =	sadd.s32 s2, s14  }
0x8e: {  	[smem:$0x3FC4] =	sst s2  }
0x8f: {  	_ = 	snop  }
0x90: {  	s2 =	sld [smem:$0x3FD0];
	_ =	sdelay $0x2  }
0x91: {  	s15 =	simm.s32 $0xA;
	s4 =	simm.s32 $0x10  }
0x92: {  	[smem:s4], [sflag:s15] =	dma.local [hbm:s2], $0x1  }
0x93: {  	_ =	swait.eq [sflag:s15], $0x1  }
0x94: {  	s16 =	sld [smem:$0x10];
	[sflag:s15] =	ssyncset.done $0x0  }
0x95: {  	s17 =	sld [smem:$0x11];
	[sflag:s15] =	ssyncadd.s32 $0xFFFFFFFF  }
0x96: {  	s18 =	sld [smem:$0x12];
	(tm) =	ssettm $0x1  }
0x97: {  	s5 =	sld [smem:$0x3FFB];
	_ =	sdelay $0x3  }
0x98: {  	_ =	strace s5  }
0x99: {  	s5 =	sld [smem:$0x3FFC];
	_ =	sdelay $0x3  }
0x9a: {  	_ =	strace s5  }
0x9b: {  	s5 =	sld [smem:$0x3FFD];
	_ =	sdelay $0x3  }
0x9c: {  	_ =	strace s5  }
0x9d: {  	_ =	strace $0x8FFFFFFF  }
0x9e: {  	s19 =	sld [smem:$0x3FDB];
	_ =	sdelay $0x1  }
0x9f: {  	s6 =	simm.s32 $_scs_section_size  }
0xa0: {  	s7 =	simm.s32 $_size__tile_overlayer_lowered;
	s8 =	simm.s32 $_tile_overlayer_lowered  }
0xa1: {  	s22 =	simm.s32 $0x1BFF;
	s21 =	sshll.u32 s8, $0x1;
	s5 =	sadd.s32 s6, s19  }
0xa2: {  	s9 =	simm.s32 $0x0;
	s20 =	sshll.u32 s7, $0x1;
	s7 =	sadd.s32 s21, s5  }
0xa3: {  	[timem:s9], [sflag:s22] =	dma.local [hbm:s7], s20  }
0xa4: {  	_ =	swait.ge [sflag:s22], s20  }
0xa5: {  	s6 =	ssub.s32 $0x0, s20;
	[sflag:s22] =	ssyncset.done $0x0  }
0xa6: {  	[sflag:s22] =	ssyncadd.s32 s6;
	_ =	sdelay $0x1  }
0xa7: {  	s23 =	simm.s32 $0x1B8B  }
0xa8: {  	_ =	swait.ge [sflag:s23], $0x1  }
0xa9: {  	[sflag:s23] =	ssyncset.done $0x0  }
0xaa: {  	s25 =	simm.s32 $0x1B8E;
	s24 =	sld [smem:$0x3FFE];
	[sflag:s23] =	ssyncadd.s32 $0xFFFFFFFF  }
0xab: {  	s26 =	simm.s32 $execute0_lowered;
	[smem:$0x3FD2] =	sst s25  }
0xac: {  	s7 =	sshll.u32 s26, $0x1;
	_ =	strace $0x80000046;
	[dreg:$0x1] =	wrdreg $0xFFFFFFFF  }
0xad: {  	s28 =	simm.s32 $_size_execute0_lowered;
	s5 =	sadd.s32 s5, s7;
	[dreg:$0x0] =	wrdreg $0x0  }
0xae: {  	s7 =	sshll.u32 s28, $0x1;
	[dreg:$0x2] =	wrdreg s5  }
0xaf: {  	[dreg:$0x3] =	wrdreg s7  }
0xb0: {  	[dreg:$0x4] =	wrdreg $0xC0  }
0xb1: {  	_ =	task [dreg:s9], $0x5FFFF  }
0xb2: {  	[dreg:$0x1] =	wrdreg $0xFFFFFFFF  }
0xb3: {  	[dreg:$0x0] =	wrdreg $0x60  }
0xb4: {  	[dreg:$0x2] =	wrdreg s17  }
0xb5: {  	[dreg:$0x3] =	wrdreg s24  }
0xb6: {  	[dreg:$0x4] =	wrdreg s16  }
0xb7: {  	[dreg:$0x5] =	wrdreg s18  }
0xb8: {  	[dreg:$0x6] =	wrdreg $0x62800  }
0xb9: {  	[dreg:$0x7] =	wrdreg $0x162800  }
0xba: {  	[dreg:$0x8] =	wrdreg $0x9  }
0xbb: {  	_ =	task.clear_ibuf [dreg:s9], $0x9FFFF;
	_ =	strace $0x90000046  }
0xbc: {  	s29 =	simm.s32 $0x9;
	_ =	strace $0x80000048  }
0xbd: {  	_ =	swait.ge [sflag:s29], $0x1  }
0xbe: {  	[sflag:s29] =	ssyncadd.s32 $0xFFFFFFFF  }
0xbf: {  	_ =	strace $0x90000048  }
0xc0: {  	_ =	sfence  }
0xc1: {  	s30 =	sld [smem:$0x0];
	_ =	sdelay $0x2  }
0xc2: {  	s31 =	sshll.u32 s1, $0xD;
	s1 =	sshrl.u32 s1, $0x2  }
0xc3: {  	s3 =	sand.u32 $0x4000, s31;
	s1 =	sadd.s32 s1, s30  }
0xc4: {  	s0 =	sor.u32 s3, s0;
	s1 =	sshll.u32 s1, $0x11  }
0xc5: {  	s0 =	sor.u32 s1, s0  }
0xc6: {  	s0 =	sadd.s32 $0x8F2B, s0  }
0xc7: {  	[sflag:s0] =	ssyncadd.remote.s32 $0x1  }
0xc8: {  	_ =	sfence.sel $0xFFFF  }
0xc9: {  	[dreg:$0x0] =	wrdreg $0xFFFFFFFF;
	(pc) =	sbr.abs _section_cstart, $3  }
0xca: {  	[dreg:$0x1] =	wrdreg $0xFFFFFFFF  }
0xcb: {  	_ =	task.clear_ibuf [dreg:s9], $0x2FFFF;
	_ =	strace $0x9FFFFFFF  }
0xcc: {  	(tm) =	ssettm $0x7FFFFFFF  }
0xcd: {  	_ =	shalt  }
tec
execute0_lowered:
.L_overlay_start_1:
0x0: {  	(tag) =	ssettag $0x1  }
0x1: {  	s7 =	rddreg [dreg:$0x0]  }
0x2: {  	s6 =	rddreg [dreg:$0x1]  }
0x3: {  	s1 =	rddreg [dreg:$0x2]  }
0x4: {  	s14 =	rddreg [dreg:$0x3]  }
0x5: {  	s2 =	rddreg [dreg:$0x4]  }
0x6: {  	s3 =	rddreg [dreg:$0x5]  }
0x7: {  	s0 =	rddreg [dreg:$0x6];
	s4 =	simm.s32 $0x0;
	s16 =	stileid.u32  }
0x8: {  	s5 =	srdreg.scid;
	s21 =	simm.s32 $0x200;
	s22 =	simm.s32 $0x80  }
0x9: {  	s23 =	simm.s32 $0x100;
	s24 =	simm.s32 $0x180;
	s26 =	simm.s32 $0x40  }
0xa: {  	[smem:$0x7FF] =	sst s4;
	s8 =	sshll.u32 s16, $0x6;
	s12 =	sand.u32 $0x1, s5  }
0xb: {  	s10 =	sshll.u32 s16, $0xD;
	s5 =	sadd.s32 $0xA00, s6;
	s29 =	sshll.u32 s16, $0x10  }
0xc: {  	s19 =	sshll.u32 s16, $0x1;
	s20 =	sshll.u32 s16, $0x5;
	p0 =	sne.s32 s16, $0x0  }
0xd: {  	_ =	strace $0x80000047;
	s9 =	sadd.s32 s8, s6;
	s11 =	sshll.u32 s12, $0x11  }
0xe: {  	s13 =	ssub.s32 $0x2, s12;
	s18 =	sadd.s32 s29, s2;
	s8 =	sor.u32 $0x1C01, s8  }
0xf: {  	s30 =	sshll.u32 s12, $0x5;
	s20 =	sand.u32 $0x60, s20;
	s11 =	sor.u32 s10, s11  }
0x10: {  	s15 =	sshrl.u32 s13, $0x1;
	s9 =	sadd.s32 $0x600, s9;
	s19 =	sor.u32 s19, s30  }
0x11: {  	s14 =	sadd.s32 s14, s20;
	s16 =	sshrl.u32 s18, $0x3;
	s18 =	simm.s32 $0x4200  }
0x12: {  	s20 =	sshrl.u32 @!p0 s3, $0x3;
	s17 =	sadd.s32 s11, s6;
	s15 =	ssub.s32 s13, s15  }
0x13: {  	s6 =	sadd.s32 s5, s10;
	s7 =	sadd.s32 s7, s11;
	s31 =	sshll.u32 s19, $0x4  }
0x14: {  	s19 =	sshll.u32 s19, $0x7;
	s10 =	sadd.s32 $0x800, s7;
	s11 =	sadd.s32 $0x1000, s7  }
0x15: {  	s12 =	sadd.s32 $0x1800, s7;
	s13 =	sadd.s32 $0x20A00, s17;
	s17 =	sand.u32 $0x380, s31  }
0x16: {  	s25 =	sadd.s32 s19, s3;
	s15 =	smax.u32 s15, $0x1;
	s19 =	simm.s32 $0x6200  }
0x17: {  	v0 =	vimm.f32 $1.000000000e+00;
	s14 =	sadd.s32 s17, s14;
	s17 =	simm.s32 $0x1;
	s25 =	sshrl.u32 s25, $0x3  }
.LBB2_1:
0x18: {  	[spmem:s16], [sflag:s8] =	dma.local [hbm:s6], $0x2000  }
0x19: {  	_ =	swait.ge [sflag:s17], $0x2000  }
0x1a: {  	[sflag:s17] =	ssyncset.done $0x0  }
0x1b: {  	[sflag:s17] =	ssyncadd.s32 $0xFFFFE000  }
0x1c: {  	[tilespmem:s18], [sflag:$0x1] =	stream.linear.gather [hbm4b:s5+s4], $0x2000, $0x38;
	[tilespmem:$0x16480] =	vst v63  }
0x1d: {  	_ =	swait.ge [sflag:s17], $0x2000  }
0x1e: {  	[sflag:s17] =	ssyncset.done $0x0  }
0x1f: {  	[sflag:s17] =	ssyncadd.s32 $0xFFFFE000  }
0x20: {  	[tilespmem:s4], [sflag:$0x1] =	stream.linear.gather [hbm4b:s9+s4], $0x200, $0x38;
	[tilespmem:$0x16480] =	vst v63  }
0x21: {  	_ =	swait.ge [sflag:s17], $0x200  }
0x22: {  	[sflag:s17] =	ssyncset.done $0x0  }
0x23: {  	[sflag:s17] =	ssyncadd.s32 $0xFFFFFE00  }
0x24: {  	[tilespmem:s19], [sflag:$0x1] =	stream.linear.gather [hbm4b:s1+s4], $0x80, $0x38;
	[tilespmem:$0x16480] =	vst v63  }
0x25: {  	_ =	swait.ge [sflag:s17], $0x80  }
0x26: {  	[sflag:s17] =	ssyncset.done $0x0  }
0x27: {  	s28 =	simm.s32 @!p0 $0x1;
	[sflag:s17] =	ssyncadd.s32 $0xFFFFFF80  }
0x28: {  	[spmem:s20], [sflag:s8] =	dma.local @!p0 [hbm:s5], $0x400  }
0x29: {  	_ =	swait.ge @!p0 [sflag:s28], $0x400  }
0x2a: {  	[sflag:s28] =	ssyncset.done @!p0 $0x0  }
0x2b: {  	[sflag:s28] =	ssyncadd.s32 @!p0 $0xFFFFFC00  }
0x2c: {  	v1 =	vld [tilespmem:$0x0];
	_ =	sdelay $0x7  }
0x2d: {  	[tilespmem:v1+s18+$0x0] =	vst.idx.add.f32.msk $0xffff, v0  }
0x2e: {  	v1 =	vld [tilespmem:$0x10];
	_ =	sdelay $0x7  }
0x2f: {  	[tilespmem:v1+s18+$0x0] =	vst.idx.add.f32.msk $0xffff, v0  }
0x30: {  	v1 =	vld [tilespmem:$0x20];
	_ =	sdelay $0x7  }
0x31: {  	[tilespmem:v1+s18+$0x0] =	vst.idx.add.f32.msk $0xffff, v0  }
0x32: {  	v1 =	vld [tilespmem:$0x30];
	_ =	sdelay $0x7  }
0x33: {  	[tilespmem:v1+s18+$0x0] =	vst.idx.add.f32.msk $0xffff, v0  }
0x34: {  	v1 =	vld [tilespmem:$0x40];
	_ =	sdelay $0x7  }
0x35: {  	[tilespmem:v1+s18+$0x0] =	vst.idx.add.f32.msk $0xffff, v0  }
0x36: {  	v1 =	vld [tilespmem:$0x50];
	_ =	sdelay $0x7  }
0x37: {  	[tilespmem:v1+s18+$0x0] =	vst.idx.add.f32.msk $0xffff, v0  }
0x38: {  	v1 =	vld [tilespmem:$0x60];
	_ =	sdelay $0x7  }
0x39: {  	[tilespmem:v1+s18+$0x0] =	vst.idx.add.f32.msk $0xffff, v0  }
0x3a: {  	v1 =	vld [tilespmem:$0x70];
	_ =	sdelay $0x7  }
0x3b: {  	[tilespmem:v1+s18+$0x0] =	vst.idx.add.f32.msk $0xffff, v0  }
0x3c: {  	v1 =	vld [tilespmem:$0x80];
	_ =	sdelay $0x7  }
0x3d: {  	[tilespmem:v1+s18+$0x0] =	vst.idx.add.f32.msk $0xffff, v0  }
0x3e: {  	v1 =	vld [tilespmem:$0x90];
	_ =	sdelay $0x7  }
0x3f: {  	[tilespmem:v1+s18+$0x0] =	vst.idx.add.f32.msk $0xffff, v0  }
0x40: {  	v1 =	vld [tilespmem:$0xA0];
	_ =	sdelay $0x7  }
0x41: {  	[tilespmem:v1+s18+$0x0] =	vst.idx.add.f32.msk $0xffff, v0  }
0x42: {  	v1 =	vld [tilespmem:$0xB0];
	_ =	sdelay $0x7  }
0x43: {  	[tilespmem:v1+s18+$0x0] =	vst.idx.add.f32.msk $0xffff, v0  }
0x44: {  	v1 =	vld [tilespmem:$0xC0];
	_ =	sdelay $0x7  }
0x45: {  	[tilespmem:v1+s18+$0x0] =	vst.idx.add.f32.msk $0xffff, v0  }
0x46: {  	v1 =	vld [tilespmem:$0xD0];
	_ =	sdelay $0x7  }
0x47: {  	[tilespmem:v1+s18+$0x0] =	vst.idx.add.f32.msk $0xffff, v0  }
0x48: {  	v1 =	vld [tilespmem:$0xE0];
	_ =	sdelay $0x7  }
0x49: {  	[tilespmem:v1+s18+$0x0] =	vst.idx.add.f32.msk $0xffff, v0  }
0x4a: {  	v1 =	vld [tilespmem:$0xF0];
	_ =	sdelay $0x7  }
0x4b: {  	[tilespmem:v1+s18+$0x0] =	vst.idx.add.f32.msk $0xffff, v0  }
0x4c: {  	v1 =	vld [tilespmem:$0x100];
	_ =	sdelay $0x7  }
0x4d: {  	[tilespmem:v1+s18+$0x0] =	vst.idx.add.f32.msk $0xffff, v0  }
0x4e: {  	v1 =	vld [tilespmem:$0x110];
	_ =	sdelay $0x7  }
0x4f: {  	[tilespmem:v1+s18+$0x0] =	vst.idx.add.f32.msk $0xffff, v0  }
0x50: {  	v1 =	vld [tilespmem:$0x120];
	_ =	sdelay $0x7  }
0x51: {  	[tilespmem:v1+s18+$0x0] =	vst.idx.add.f32.msk $0xffff, v0  }
0x52: {  	v1 =	vld [tilespmem:$0x130];
	_ =	sdelay $0x7  }
0x53: {  	[tilespmem:v1+s18+$0x0] =	vst.idx.add.f32.msk $0xffff, v0  }
0x54: {  	v1 =	vld [tilespmem:$0x140];
	_ =	sdelay $0x7  }
0x55: {  	[tilespmem:v1+s18+$0x0] =	vst.idx.add.f32.msk $0xffff, v0  }
0x56: {  	v1 =	vld [tilespmem:$0x150];
	_ =	sdelay $0x7  }
0x57: {  	[tilespmem:v1+s18+$0x0] =	vst.idx.add.f32.msk $0xffff, v0  }
0x58: {  	v1 =	vld [tilespmem:$0x160];
	_ =	sdelay $0x7  }
0x59: {  	[tilespmem:v1+s18+$0x0] =	vst.idx.add.f32.msk $0xffff, v0  }
0x5a: {  	v1 =	vld [tilespmem:$0x170];
	_ =	sdelay $0x7  }
0x5b: {  	[tilespmem:v1+s18+$0x0] =	vst.idx.add.f32.msk $0xffff, v0  }
0x5c: {  	v1 =	vld [tilespmem:$0x180];
	_ =	sdelay $0x7  }
0x5d: {  	[tilespmem:v1+s18+$0x0] =	vst.idx.add.f32.msk $0xffff, v0  }
0x5e: {  	v1 =	vld [tilespmem:$0x190];
	_ =	sdelay $0x7  }
0x5f: {  	[tilespmem:v1+s18+$0x0] =	vst.idx.add.f32.msk $0xffff, v0  }
0x60: {  	v1 =	vld [tilespmem:$0x1A0];
	_ =	sdelay $0x7  }
0x61: {  	[tilespmem:v1+s18+$0x0] =	vst.idx.add.f32.msk $0xffff, v0  }
0x62: {  	v1 =	vld [tilespmem:$0x1B0];
	_ =	sdelay $0x7  }
0x63: {  	[tilespmem:v1+s18+$0x0] =	vst.idx.add.f32.msk $0xffff, v0  }
0x64: {  	v1 =	vld [tilespmem:$0x1C0];
	_ =	sdelay $0x7  }
0x65: {  	[tilespmem:v1+s18+$0x0] =	vst.idx.add.f32.msk $0xffff, v0  }
0x66: {  	v1 =	vld [tilespmem:$0x1D0];
	_ =	sdelay $0x7  }
0x67: {  	[tilespmem:v1+s18+$0x0] =	vst.idx.add.f32.msk $0xffff, v0  }
0x68: {  	v1 =	vld [tilespmem:$0x1E0];
	_ =	sdelay $0x7  }
0x69: {  	[tilespmem:v1+s18+$0x0] =	vst.idx.add.f32.msk $0xffff, v0  }
0x6a: {  	v1 =	vld [tilespmem:$0x1F0];
	_ =	sdelay $0x7  }
0x6b: {  	[tilespmem:v1+s18+$0x0] =	vst.idx.add.f32.msk $0xffff, v0  }
0x6c: {  	[bflag:$0x0] =	sbarrier.arrive $0xFFFF  }
0x6d: {  	[tilespmem:s21], [sflag:$0x1] =	stream.linear.gather [hbm4b:s7+s4], $0x4000, $0x38;
	[tilespmem:$0x16480] =	vst v63  }
0x6e: {  	_ =	swait.ge [sflag:s17], $0x4000  }
0x6f: {  	[sflag:s17] =	ssyncset.done $0x0  }
0x70: {  	[sflag:s17] =	ssyncadd.s32 $0xFFFFC000  }
0x71: {  	[spmem:s2] =	stream.indirect.scatter.add.f32 [tilespmem:s21], [sflag:$0x1], $0x80, s4, s22, $0xb8;
	[tilespmem:$0x16480] =	vst v63  }
0x72: {  	_ =	swait.ge [sflag:s17], $0x4000  }
0x73: {  	[sflag:s17] =	ssyncset.done $0x0  }
0x74: {  	[sflag:s17] =	ssyncadd.s32 $0xFFFFC000  }
0x75: {  	[tilespmem:s21], [sflag:$0x1] =	stream.linear.gather [hbm4b:s10+s4], $0x4000, $0x38;
	[tilespmem:$0x16480] =	vst v63  }
0x76: {  	_ =	swait.ge [sflag:s17], $0x4000  }
0x77: {  	[sflag:s17] =	ssyncset.done $0x0  }
0x78: {  	[sflag:s17] =	ssyncadd.s32 $0xFFFFC000  }
0x79: {  	[spmem:s2] =	stream.indirect.scatter.add.f32 [tilespmem:s21], [sflag:$0x1], $0x80, s22, s22, $0xb8;
	[tilespmem:$0x16480] =	vst v63  }
0x7a: {  	_ =	swait.ge [sflag:s17], $0x4000  }
0x7b: {  	[sflag:s17] =	ssyncset.done $0x0  }
0x7c: {  	[sflag:s17] =	ssyncadd.s32 $0xFFFFC000  }
0x7d: {  	[tilespmem:s21], [sflag:$0x1] =	stream.linear.gather [hbm4b:s11+s4], $0x4000, $0x38;
	[tilespmem:$0x16480] =	vst v63  }
0x7e: {  	_ =	swait.ge [sflag:s17], $0x4000  }
0x7f: {  	[sflag:s17] =	ssyncset.done $0x0  }
0x80: {  	[sflag:s17] =	ssyncadd.s32 $0xFFFFC000  }
0x81: {  	[spmem:s2] =	stream.indirect.scatter.add.f32 [tilespmem:s21], [sflag:$0x1], $0x80, s23, s22, $0xb8;
	[tilespmem:$0x16480] =	vst v63  }
0x82: {  	_ =	swait.ge [sflag:s17], $0x4000  }
0x83: {  	[sflag:s17] =	ssyncset.done $0x0  }
0x84: {  	[sflag:s17] =	ssyncadd.s32 $0xFFFFC000  }
0x85: {  	[tilespmem:s21], [sflag:$0x1] =	stream.linear.gather [hbm4b:s12+s4], $0x4000, $0x38;
	[tilespmem:$0x16480] =	vst v63  }
0x86: {  	_ =	swait.ge [sflag:s17], $0x4000  }
0x87: {  	[sflag:s17] =	ssyncset.done $0x0  }
0x88: {  	[sflag:s17] =	ssyncadd.s32 $0xFFFFC000  }
0x89: {  	[spmem:s2] =	stream.indirect.scatter.add.f32 [tilespmem:s21], [sflag:$0x1], $0x80, s24, s22, $0xb8;
	[tilespmem:$0x16480] =	vst v63  }
0x8a: {  	_ =	swait.ge [sflag:s17], $0x4000  }
0x8b: {  	[sflag:s17] =	ssyncset.done $0x0  }
0x8c: {  	[sflag:s17] =	ssyncadd.s32 $0xFFFFC000  }
0x8d: {  	[spmem:s3] =	stream.indirect.scatter.add.f32 [tilespmem:s18], [sflag:$0x1], $0x80, s19, s26, $0xb8;
	[tilespmem:$0x16480] =	vst v63  }
0x8e: {  	_ =	swait.ge [sflag:s17], $0x2000  }
0x8f: {  	[sflag:s17] =	ssyncset.done $0x0  }
0x90: {  	[sflag:s17] =	ssyncadd.s32 $0xFFFFE000  }
0x91: {  	[bflag:$0x0] =	sbarrier.arrive $0xFFFF  }
0x92: {  	[hbm:s13], [sflag:s8] =	dma.local [spmem:s16], $0x2000  }
0x93: {  	s15 =	sadd.s32 $0xFFFFFFFF, s15;
	_ =	swait.ge [sflag:s17], $0x2000  }
0x94: {  	p1 =	sne.s32 s15, $0x0;
	[sflag:s17] =	ssyncset.done $0x0  }
.Ltmp0:
0x95: {  	[sflag:s17] =	ssyncadd.s32 $0xFFFFE000;
	(pc) =	sbr.rel @p1 .LBB2_1-.Ltmp0, $4  }
0x96: {  	[hbm:s14], [sflag:s8] =	dma.local [spmem:s25], $0x20  }
0x97: {  	_ =	swait.ge [sflag:s17], $0x20  }
0x98: {  	[sflag:s17] =	ssyncset.done $0x0  }
0x99: {  	[sflag:s17] =	ssyncadd.s32 $0xFFFFFFE0  }
0x9a: {  	_ =	sfence.sel $0x180000  }
0x9b: {  	[bflag:$0x0] =	sbarrier.arrive $0xFFFF  }
0x9c: {  	_ =	strace $0x90000047  }
0x9d: {  	s0 =	sadd.s32 @!p0 $0x100000, s0;
	[bflag:$0x2] =	sbarrier.arrive $0xFFFF  }
0x9e: {  	[sflag:s0] =	ssyncadd.tile.s32 @!p0 $0x1;
	_ =	shalt  }
.Lfunc_end2:
_tile_overlayer_lowered:
.L_overlay_start_2:
0x9f: {  	(tag) =	ssettag $0x2  }
0xa0: {  	s0 =	rddreg [dreg:$0x0];
	s2 =	stileid.u32  }
0xa1: {  	s1 =	rddreg [dreg:$0x1];
	p0 =	sne.s32 s2, $0x0  }
0xa2: {  	s3 =	rddreg [dreg:$0x2];
	[bflag:$0x3] =	sbarrier.arrive $0xFFFF;
	s2 =	simm.s32 @!p0 $0x1C01  }
0xa3: {  	[timem:s3], [sflag:s2] =	dma.local @!p0 [hbm:s0], s1  }
0xa4: {  	s0 =	simm.s32 @!p0 $0x1  }
0xa5: {  	_ =	swait.ge @!p0 [sflag:s0], s1  }
0xa6: {  	s1 =	ssub.s32 @!p0 $0x0, s1;
	[sflag:s0] =	ssyncset.done @!p0 $0x0  }
0xa7: {  	[sflag:s0] =	ssyncadd.s32 @!p0 s1  }
0xa8: {  	[bflag:$0x3] =	sbarrier.arrive $0xFFFF  }
0xa9: {  	_ =	shalt  }

</sc_bundles>
